<compile_context>
chip_gen: v7x
topology: tpu7x:2x2x1
jax: 0.10.2.dev20260603
libtpu: 0.0.44.dev20260713+nightly
codegen_flags: <defaults>
</compile_context>

<pallas_src>
import jax
import jax.numpy as jnp
from jax import lax
from jax.experimental import pallas as pl
from jax.experimental.pallas import tpu as pltpu
from jax.experimental.pallas import tpu_sc as plsc

_B = 1024
_A = 100
_ACT = 1000
_NC, _NS = 2, 16
_NW = _NC * _NS
_RPW = _B // _NW
_PRM = 1008
_CNT = 1024


def _sc_body(a_hbm, dc_hbm, out_hbm, a_v, o_v, dc_v, cb0, cb1):
    w = lax.axis_index("s") * _NC + lax.axis_index("c")
    rbase = w * _RPW
    pltpu.sync_copy(a_hbm.at[pl.ds(rbase, _RPW)], a_v)
    pltpu.sync_copy(dc_hbm, dc_v.at[pl.ds(0, _ACT)])

    zero16 = jnp.zeros((16,), jnp.float32)
    one16 = jnp.ones((16,), jnp.float32)
    for i in range(_CNT // 16):
        cb0[pl.ds(16 * i, 16)] = zero16
        cb1[pl.ds(16 * i, 16)] = zero16

    lane = lax.broadcasted_iota(jnp.int32, (16,), 0)
    tail_mask = lane >= 12
    hi_mask = jnp.full((16,), jnp.int32(-65536))

    offs = [16 * g for g in range(6)] + [_A - 16]

    def row(r, cnt):
        idx = [a_v[r, pl.ds(o, 16)] for o in offs]
        for g in range(6):
            plsc.addupdate_scatter(cnt, [idx[g]], one16)
        plsc.addupdate_scatter(cnt, [idx[6]], one16, mask=tail_mask)
        for g in range(7):
            ld = plsc.load_gather(cnt, [idx[g]])
            bits = plsc.bitcast(plsc.load_gather(dc_v, [idx[g]]), jnp.int32)
            dg = plsc.bitcast(jnp.bitwise_and(bits, hi_mask), jnp.float32)
            c2g = plsc.bitcast(jnp.left_shift(bits, 16), jnp.float32)
            o_v[r, pl.ds(offs[g], 16)] = ld * (dg - c2g * ld)
        for g in range(6):
            plsc.store_scatter(cnt, [idx[g]], zero16)
        plsc.store_scatter(cnt, [idx[6]], zero16, mask=tail_mask)

    def pair(i, carry):
        row(2 * i, cb0)
        row(2 * i + 1, cb1)
        return carry

    lax.fori_loop(0, _RPW // 2, pair, 0)
    pltpu.sync_copy(o_v, out_hbm.at[pl.ds(rbase, _RPW)])


def _round_bf16_hi(x):
    b = lax.bitcast_convert_type(x, jnp.int32)
    return jnp.bitwise_and(b + 0x8000, jnp.int32(-65536))


@jax.jit
def kernel(a_joint, c1, c2, tau):
    a32 = a_joint if a_joint.dtype == jnp.int32 else a_joint.astype(jnp.int32)
    d_hi = _round_bf16_hi(tau - c1)
    c2_lo = jnp.right_shift(_round_bf16_hi(c2), 16) & 0xFFFF
    dc = lax.bitcast_convert_type(jnp.bitwise_or(d_hi, c2_lo), jnp.float32)
    mesh = plsc.VectorSubcoreMesh(
        core_axis_name="c", subcore_axis_name="s",
        num_cores=_NC, num_subcores=_NS)
    return pl.kernel(
        _sc_body,
        out_type=jax.ShapeDtypeStruct((_B, _A), jnp.float32),
        mesh=mesh,
        compiler_params=pltpu.CompilerParams(needs_layout_passes=False),
        scratch_types=[
            pltpu.VMEM((_RPW, _A), jnp.int32),
            pltpu.VMEM((_RPW, _A), jnp.float32),
            pltpu.VMEM((_PRM,), jnp.float32),
            pltpu.VMEM((_CNT,), jnp.float32),
            pltpu.VMEM((_CNT,), jnp.float32),
        ],
    )(a32, dc)

# --- scband reference (transcript-rebuilt; emitter-appended) ---
"""Pipeline reference for scband-congestion-param-mechanism-22643067585090 (READ-ONLY COPY).

The authoritative reference and input builder live on the scoring server;
editing this copy changes nothing except your own understanding.
"""

import jax, jax.numpy as jnp
import numpy as np

N_AGENTS = 100
N_ACTIONS = 1000
BATCH = 1024


def setup_inputs(seed: int = 0) -> dict:
    key = jax.random.key(seed)
    k_a, k_c1, k_c2, k_tau = jax.random.split(key, 4)
    a_joint = jax.random.randint(k_a, (BATCH, N_AGENTS), 0, N_ACTIONS, dtype=jnp.int64 if jax.config.jax_enable_x64 else jnp.int32)
    c1 = jax.random.uniform(k_c1, (N_ACTIONS,), dtype=jnp.float32) * 0.3 + 0.1
    c2 = jax.random.uniform(k_c2, (N_ACTIONS,), dtype=jnp.float32) * 0.1 + 0.05
    tau = jax.random.uniform(k_tau, (N_ACTIONS,), dtype=jnp.float32) * 0.2
    return {"a_joint": a_joint, "c1": c1, "c2": c2, "tau": tau}


def reference(a_joint, c1, c2, tau):
    # one-hot over actions: [B, n_agents, n_actions]
    oh = jax.nn.one_hot(a_joint, N_ACTIONS, dtype=jnp.float32)
    # per-resource load counts: [B, n_actions]
    counts = oh.sum(axis=1)
    # load experienced by each agent = counts gathered at its chosen action: [B, n_agents]
    load = jnp.take_along_axis(counts, a_joint, axis=1)
    # gather per-action parameters for each agent's action
    c1v = jnp.take(c1, a_joint, axis=0)
    c2v = jnp.take(c2, a_joint, axis=0)
    tauv = jnp.take(tau, a_joint, axis=0)
    cost = c1v * load + c2v * load ** 2
    toll = tauv * load
    payouts = -cost + toll
    return payouts

if __name__ == "__main__":
    import jax
    _d = setup_inputs()
    print(jax.jit(kernel)(*tuple(_d.values())))

</pallas_src>

<mosaic_0001>
#map = affine_map<(d0, d1) -> (0, 0)>
#map1 = affine_map<(d0, d1) -> (0)>
module attributes {stable_mosaic.version = 14 : i64} {
  func.func @_sc_body(%arg0: i32, %arg1: i32, %arg2: memref<1024x100xi32, #tpu.memory_space<hbm>>, %arg3: memref<1000xf32, #tpu.memory_space<hbm>>, %arg4: memref<1024x100xf32, #tpu.memory_space<hbm>>, %arg5: memref<32x100xi32, #tpu.memory_space<vmem>>, %arg6: memref<32x100xf32, #tpu.memory_space<vmem>>, %arg7: memref<1008xf32, #tpu.memory_space<vmem>>, %arg8: memref<1024xf32, #tpu.memory_space<vmem>>, %arg9: memref<1024xf32, #tpu.memory_space<vmem>>) attributes {dimension_semantics = [#tpu.dimension_semantics<core_parallel>, #tpu.dimension_semantics<subcore_parallel>], iteration_bounds = array<i64: 2, 16>, scalar_prefetch = 0 : i64, scratch_operands = 5 : i64, tpu.core_type = #tpu.core_type<sc_vector_subcore>, window_params = [{transform_indices = #map}, {transform_indices = #map1}, {transform_indices = #map}]} {
    %mul3A = arith.constant 2 : i32
    %mul3A_0 = arith.muli %arg1, %mul3A : i32
    %add3A = arith.addi %mul3A_0, %arg0 : i32
    %mul3A_1 = arith.constant 32 : i32
    %mul3A_2 = arith.muli %add3A, %mul3A_1 : i32
    "tpu.region"() ({
      %run_scoped3A = tpu.sem_alloc : memref<!tpu.dma_semaphore, #tpu.memory_space<semaphore_mem>>
      %dma_start3A = arith.constant 0 : i32
      %dma_start3A_270 = tpu.memref_slice %arg2[%mul3A_2, %dma_start3A] : memref<1024x100xi32, #tpu.memory_space<hbm>> -> memref<32x100xi32, #tpu.memory_space<hbm>>
      %dma_start3A_271 = arith.constant 0 : i32
      %dma_start3A_272 = tpu.memref_slice %arg2[%mul3A_2, %dma_start3A_271] : memref<1024x100xi32, #tpu.memory_space<hbm>> -> memref<32x100xi32, #tpu.memory_space<hbm>>
      tpu.enqueue_dma source(%dma_start3A_272 : memref<32x100xi32, #tpu.memory_space<hbm>>) target(%arg5 : memref<32x100xi32, #tpu.memory_space<vmem>>) target_semaphore(%run_scoped3A : memref<!tpu.dma_semaphore, #tpu.memory_space<semaphore_mem>>)
      %dma_wait3A = arith.constant 0 : i32
      %dma_wait3A_273 = tpu.memref_slice %arg2[%mul3A_2, %dma_wait3A] : memref<1024x100xi32, #tpu.memory_space<hbm>> -> memref<32x100xi32, #tpu.memory_space<hbm>>
      %dma_wait3A_274 = arith.constant 0 : i32
      %dma_wait3A_275 = tpu.memref_slice %arg2[%mul3A_2, %dma_wait3A_274] : memref<1024x100xi32, #tpu.memory_space<hbm>> -> memref<32x100xi32, #tpu.memory_space<hbm>>
      tpu.wait_dma2 semaphore(%run_scoped3A : memref<!tpu.dma_semaphore, #tpu.memory_space<semaphore_mem>>) src(%dma_wait3A_275 : memref<32x100xi32, #tpu.memory_space<hbm>>) dst(%arg5 : memref<32x100xi32, #tpu.memory_space<vmem>>)
      tpu.yield
    }) : () -> ()
    "tpu.region"() ({
      %run_scoped3A = tpu.sem_alloc : memref<!tpu.dma_semaphore, #tpu.memory_space<semaphore_mem>>
      %dma_start3A = arith.constant 0 : i32
      %dma_start3A_270 = tpu.memref_slice %arg7[%dma_start3A] : memref<1008xf32, #tpu.memory_space<vmem>> -> memref<1000xf32, #tpu.memory_space<vmem>>
      %dma_start3A_271 = arith.constant 0 : i32
      %dma_start3A_272 = tpu.memref_slice %arg7[%dma_start3A_271] : memref<1008xf32, #tpu.memory_space<vmem>> -> memref<1000xf32, #tpu.memory_space<vmem>>
      tpu.enqueue_dma source(%arg3 : memref<1000xf32, #tpu.memory_space<hbm>>) target(%dma_start3A_272 : memref<1000xf32, #tpu.memory_space<vmem>>) target_semaphore(%run_scoped3A : memref<!tpu.dma_semaphore, #tpu.memory_space<semaphore_mem>>)
      %dma_wait3A = arith.constant 0 : i32
      %dma_wait3A_273 = tpu.memref_slice %arg7[%dma_wait3A] : memref<1008xf32, #tpu.memory_space<vmem>> -> memref<1000xf32, #tpu.memory_space<vmem>>
      %dma_wait3A_274 = arith.constant 0 : i32
      %dma_wait3A_275 = tpu.memref_slice %arg7[%dma_wait3A_274] : memref<1008xf32, #tpu.memory_space<vmem>> -> memref<1000xf32, #tpu.memory_space<vmem>>
      tpu.wait_dma2 semaphore(%run_scoped3A : memref<!tpu.dma_semaphore, #tpu.memory_space<semaphore_mem>>) src(%arg3 : memref<1000xf32, #tpu.memory_space<hbm>>) dst(%dma_wait3A_275 : memref<1000xf32, #tpu.memory_space<vmem>>)
      tpu.yield
    }) : () -> ()
    %broadcast_in_dim3A = arith.constant 0.000000e+00 : f32
    %broadcast_in_dim3A_3 = vector.broadcast %broadcast_in_dim3A : f32 to vector<16xf32>
    %broadcast_in_dim3A_4 = arith.constant 1.000000e+00 : f32
    %broadcast_in_dim3A_5 = vector.broadcast %broadcast_in_dim3A_4 : f32 to vector<16xf32>
    %swap3A = arith.constant 0 : index
    %swap3A_6 = tpu.vector_load %arg8[%swap3A] {strides = array<i32>} : memref<1024xf32, #tpu.memory_space<vmem>>, vector<16xf32>,
    tpu.vector_store %arg8[%swap3A], %broadcast_in_dim3A_3 {strides = array<i32>} : memref<1024xf32, #tpu.memory_space<vmem>>, vector<16xf32>,
    %swap3A_7 = arith.constant 0 : index
    %swap3A_8 = tpu.vector_load %arg9[%swap3A_7] {strides = array<i32>} : memref<1024xf32, #tpu.memory_space<vmem>>, vector<16xf32>,
    tpu.vector_store %arg9[%swap3A_7], %broadcast_in_dim3A_3 {strides = array<i32>} : memref<1024xf32, #tpu.memory_space<vmem>>, vector<16xf32>,
    %swap3A_9 = arith.constant 16 : index
    %swap3A_10 = tpu.vector_load %arg8[%swap3A_9] {strides = array<i32>} : memref<1024xf32, #tpu.memory_space<vmem>>, vector<16xf32>,
    tpu.vector_store %arg8[%swap3A_9], %broadcast_in_dim3A_3 {strides = array<i32>} : memref<1024xf32, #tpu.memory_space<vmem>>, vector<16xf32>,
    %swap3A_11 = arith.constant 16 : index
    %swap3A_12 = tpu.vector_load %arg9[%swap3A_11] {strides = array<i32>} : memref<1024xf32, #tpu.memory_space<vmem>>, vector<16xf32>,
    tpu.vector_store %arg9[%swap3A_11], %broadcast_in_dim3A_3 {strides = array<i32>} : memref<1024xf32, #tpu.memory_space<vmem>>, vector<16xf32>,
    %swap3A_13 = arith.constant 32 : index
    %swap3A_14 = tpu.vector_load %arg8[%swap3A_13] {strides = array<i32>} : memref<1024xf32, #tpu.memory_space<vmem>>, vector<16xf32>,
    tpu.vector_store %arg8[%swap3A_13], %broadcast_in_dim3A_3 {strides = array<i32>} : memref<1024xf32, #tpu.memory_space<vmem>>, vector<16xf32>,
    %swap3A_15 = arith.constant 32 : index
    %swap3A_16 = tpu.vector_load %arg9[%swap3A_15] {strides = array<i32>} : memref<1024xf32, #tpu.memory_space<vmem>>, vector<16xf32>,
    tpu.vector_store %arg9[%swap3A_15], %broadcast_in_dim3A_3 {strides = array<i32>} : memref<1024xf32, #tpu.memory_space<vmem>>, vector<16xf32>,
    %swap3A_17 = arith.constant 48 : index
    %swap3A_18 = tpu.vector_load %arg8[%swap3A_17] {strides = array<i32>} : memref<1024xf32, #tpu.memory_space<vmem>>, vector<16xf32>,
    tpu.vector_store %arg8[%swap3A_17], %broadcast_in_dim3A_3 {strides = array<i32>} : memref<1024xf32, #tpu.memory_space<vmem>>, vector<16xf32>,
    %swap3A_19 = arith.constant 48 : index
    %swap3A_20 = tpu.vector_load %arg9[%swap3A_19] {strides = array<i32>} : memref<1024xf32, #tpu.memory_space<vmem>>, vector<16xf32>,
    tpu.vector_store %arg9[%swap3A_19], %broadcast_in_dim3A_3 {strides = array<i32>} : memref<1024xf32, #tpu.memory_space<vmem>>, vector<16xf32>,
    %swap3A_21 = arith.constant 64 : index
    %swap3A_22 = tpu.vector_load %arg8[%swap3A_21] {strides = array<i32>} : memref<1024xf32, #tpu.memory_space<vmem>>, vector<16xf32>,
    tpu.vector_store %arg8[%swap3A_21], %broadcast_in_dim3A_3 {strides = array<i32>} : memref<1024xf32, #tpu.memory_space<vmem>>, vector<16xf32>,
    %swap3A_23 = arith.constant 64 : index
    %swap3A_24 = tpu.vector_load %arg9[%swap3A_23] {strides = array<i32>} : memref<1024xf32, #tpu.memory_space<vmem>>, vector<16xf32>,
    tpu.vector_store %arg9[%swap3A_23], %broadcast_in_dim3A_3 {strides = array<i32>} : memref<1024xf32, #tpu.memory_space<vmem>>, vector<16xf32>,
    %swap3A_25 = arith.constant 80 : index
    %swap3A_26 = tpu.vector_load %arg8[%swap3A_25] {strides = array<i32>} : memref<1024xf32, #tpu.memory_space<vmem>>, vector<16xf32>,
    tpu.vector_store %arg8[%swap3A_25], %broadcast_in_dim3A_3 {strides = array<i32>} : memref<1024xf32, #tpu.memory_space<vmem>>, vector<16xf32>,
    %swap3A_27 = arith.constant 80 : index
    %swap3A_28 = tpu.vector_load %arg9[%swap3A_27] {strides = array<i32>} : memref<1024xf32, #tpu.memory_space<vmem>>, vector<16xf32>,
    tpu.vector_store %arg9[%swap3A_27], %broadcast_in_dim3A_3 {strides = array<i32>} : memref<1024xf32, #tpu.memory_space<vmem>>, vector<16xf32>,
    %swap3A_29 = arith.constant 96 : index
    %swap3A_30 = tpu.vector_load %arg8[%swap3A_29] {strides = array<i32>} : memref<1024xf32, #tpu.memory_space<vmem>>, vector<16xf32>,
    tpu.vector_store %arg8[%swap3A_29], %broadcast_in_dim3A_3 {strides = array<i32>} : memref<1024xf32, #tpu.memory_space<vmem>>, vector<16xf32>,
    %swap3A_31 = arith.constant 96 : index
    %swap3A_32 = tpu.vector_load %arg9[%swap3A_31] {strides = array<i32>} : memref<1024xf32, #tpu.memory_space<vmem>>, vector<16xf32>,
    tpu.vector_store %arg9[%swap3A_31], %broadcast_in_dim3A_3 {strides = array<i32>} : memref<1024xf32, #tpu.memory_space<vmem>>, vector<16xf32>,
    %swap3A_33 = arith.constant 112 : index
    %swap3A_34 = tpu.vector_load %arg8[%swap3A_33] {strides = array<i32>} : memref<1024xf32, #tpu.memory_space<vmem>>, vector<16xf32>,
    tpu.vector_store %arg8[%swap3A_33], %broadcast_in_dim3A_3 {strides = array<i32>} : memref<1024xf32, #tpu.memory_space<vmem>>, vector<16xf32>,
    %swap3A_35 = arith.constant 112 : index
    %swap3A_36 = tpu.vector_load %arg9[%swap3A_35] {strides = array<i32>} : memref<1024xf32, #tpu.memory_space<vmem>>, vector<16xf32>,
    tpu.vector_store %arg9[%swap3A_35], %broadcast_in_dim3A_3 {strides = array<i32>} : memref<1024xf32, #tpu.memory_space<vmem>>, vector<16xf32>,
    %swap3A_37 = arith.constant 128 : index
    %swap3A_38 = tpu.vector_load %arg8[%swap3A_37] {strides = array<i32>} : memref<1024xf32, #tpu.memory_space<vmem>>, vector<16xf32>,
    tpu.vector_store %arg8[%swap3A_37], %broadcast_in_dim3A_3 {strides = array<i32>} : memref<1024xf32, #tpu.memory_space<vmem>>, vector<16xf32>,
    %swap3A_39 = arith.constant 128 : index
    %swap3A_40 = tpu.vector_load %arg9[%swap3A_39] {strides = array<i32>} : memref<1024xf32, #tpu.memory_space<vmem>>, vector<16xf32>,
    tpu.vector_store %arg9[%swap3A_39], %broadcast_in_dim3A_3 {strides = array<i32>} : memref<1024xf32, #tpu.memory_space<vmem>>, vector<16xf32>,
    %swap3A_41 = arith.constant 144 : index
    %swap3A_42 = tpu.vector_load %arg8[%swap3A_41] {strides = array<i32>} : memref<1024xf32, #tpu.memory_space<vmem>>, vector<16xf32>,
    tpu.vector_store %arg8[%swap3A_41], %broadcast_in_dim3A_3 {strides = array<i32>} : memref<1024xf32, #tpu.memory_space<vmem>>, vector<16xf32>,
    %swap3A_43 = arith.constant 144 : index
    %swap3A_44 = tpu.vector_load %arg9[%swap3A_43] {strides = array<i32>} : memref<1024xf32, #tpu.memory_space<vmem>>, vector<16xf32>,
    tpu.vector_store %arg9[%swap3A_43], %broadcast_in_dim3A_3 {strides = array<i32>} : memref<1024xf32, #tpu.memory_space<vmem>>, vector<16xf32>,
    %swap3A_45 = arith.constant 160 : index
    %swap3A_46 = tpu.vector_load %arg8[%swap3A_45] {strides = array<i32>} : memref<1024xf32, #tpu.memory_space<vmem>>, vector<16xf32>,
    tpu.vector_store %arg8[%swap3A_45], %broadcast_in_dim3A_3 {strides = array<i32>} : memref<1024xf32, #tpu.memory_space<vmem>>, vector<16xf32>,
    %swap3A_47 = arith.constant 160 : index
    %swap3A_48 = tpu.vector_load %arg9[%swap3A_47] {strides = array<i32>} : memref<1024xf32, #tpu.memory_space<vmem>>, vector<16xf32>,
    tpu.vector_store %arg9[%swap3A_47], %broadcast_in_dim3A_3 {strides = array<i32>} : memref<1024xf32, #tpu.memory_space<vmem>>, vector<16xf32>,
    %swap3A_49 = arith.constant 176 : index
    %swap3A_50 = tpu.vector_load %arg8[%swap3A_49] {strides = array<i32>} : memref<1024xf32, #tpu.memory_space<vmem>>, vector<16xf32>,
    tpu.vector_store %arg8[%swap3A_49], %broadcast_in_dim3A_3 {strides = array<i32>} : memref<1024xf32, #tpu.memory_space<vmem>>, vector<16xf32>,
    %swap3A_51 = arith.constant 176 : index
    %swap3A_52 = tpu.vector_load %arg9[%swap3A_51] {strides = array<i32>} : memref<1024xf32, #tpu.memory_space<vmem>>, vector<16xf32>,
    tpu.vector_store %arg9[%swap3A_51], %broadcast_in_dim3A_3 {strides = array<i32>} : memref<1024xf32, #tpu.memory_space<vmem>>, vector<16xf32>,
    %swap3A_53 = arith.constant 192 : index
    %swap3A_54 = tpu.vector_load %arg8[%swap3A_53] {strides = array<i32>} : memref<1024xf32, #tpu.memory_space<vmem>>, vector<16xf32>,
    tpu.vector_store %arg8[%swap3A_53], %broadcast_in_dim3A_3 {strides = array<i32>} : memref<1024xf32, #tpu.memory_space<vmem>>, vector<16xf32>,
    %swap3A_55 = arith.constant 192 : index
    %swap3A_56 = tpu.vector_load %arg9[%swap3A_55] {strides = array<i32>} : memref<1024xf32, #tpu.memory_space<vmem>>, vector<16xf32>,
    tpu.vector_store %arg9[%swap3A_55], %broadcast_in_dim3A_3 {strides = array<i32>} : memref<1024xf32, #tpu.memory_space<vmem>>, vector<16xf32>,
    %swap3A_57 = arith.constant 208 : index
    %swap3A_58 = tpu.vector_load %arg8[%swap3A_57] {strides = array<i32>} : memref<1024xf32, #tpu.memory_space<vmem>>, vector<16xf32>,
    tpu.vector_store %arg8[%swap3A_57], %broadcast_in_dim3A_3 {strides = array<i32>} : memref<1024xf32, #tpu.memory_space<vmem>>, vector<16xf32>,
    %swap3A_59 = arith.constant 208 : index
    %swap3A_60 = tpu.vector_load %arg9[%swap3A_59] {strides = array<i32>} : memref<1024xf32, #tpu.memory_space<vmem>>, vector<16xf32>,
    tpu.vector_store %arg9[%swap3A_59], %broadcast_in_dim3A_3 {strides = array<i32>} : memref<1024xf32, #tpu.memory_space<vmem>>, vector<16xf32>,
    %swap3A_61 = arith.constant 224 : index
    %swap3A_62 = tpu.vector_load %arg8[%swap3A_61] {strides = array<i32>} : memref<1024xf32, #tpu.memory_space<vmem>>, vector<16xf32>,
    tpu.vector_store %arg8[%swap3A_61], %broadcast_in_dim3A_3 {strides = array<i32>} : memref<1024xf32, #tpu.memory_space<vmem>>, vector<16xf32>,
    %swap3A_63 = arith.constant 224 : index
    %swap3A_64 = tpu.vector_load %arg9[%swap3A_63] {strides = array<i32>} : memref<1024xf32, #tpu.memory_space<vmem>>, vector<16xf32>,
    tpu.vector_store %arg9[%swap3A_63], %broadcast_in_dim3A_3 {strides = array<i32>} : memref<1024xf32, #tpu.memory_space<vmem>>, vector<16xf32>,
    %swap3A_65 = arith.constant 240 : index
    %swap3A_66 = tpu.vector_load %arg8[%swap3A_65] {strides = array<i32>} : memref<1024xf32, #tpu.memory_space<vmem>>, vector<16xf32>,
    tpu.vector_store %arg8[%swap3A_65], %broadcast_in_dim3A_3 {strides = array<i32>} : memref<1024xf32, #tpu.memory_space<vmem>>, vector<16xf32>,
    %swap3A_67 = arith.constant 240 : index
    %swap3A_68 = tpu.vector_load %arg9[%swap3A_67] {strides = array<i32>} : memref<1024xf32, #tpu.memory_space<vmem>>, vector<16xf32>,
    tpu.vector_store %arg9[%swap3A_67], %broadcast_in_dim3A_3 {strides = array<i32>} : memref<1024xf32, #tpu.memory_space<vmem>>, vector<16xf32>,
    %swap3A_69 = arith.constant 256 : index
    %swap3A_70 = tpu.vector_load %arg8[%swap3A_69] {strides = array<i32>} : memref<1024xf32, #tpu.memory_space<vmem>>, vector<16xf32>,
    tpu.vector_store %arg8[%swap3A_69], %broadcast_in_dim3A_3 {strides = array<i32>} : memref<1024xf32, #tpu.memory_space<vmem>>, vector<16xf32>,
    %swap3A_71 = arith.constant 256 : index
    %swap3A_72 = tpu.vector_load %arg9[%swap3A_71] {strides = array<i32>} : memref<1024xf32, #tpu.memory_space<vmem>>, vector<16xf32>,
    tpu.vector_store %arg9[%swap3A_71], %broadcast_in_dim3A_3 {strides = array<i32>} : memref<1024xf32, #tpu.memory_space<vmem>>, vector<16xf32>,
    %swap3A_73 = arith.constant 272 : index
    %swap3A_74 = tpu.vector_load %arg8[%swap3A_73] {strides = array<i32>} : memref<1024xf32, #tpu.memory_space<vmem>>, vector<16xf32>,
    tpu.vector_store %arg8[%swap3A_73], %broadcast_in_dim3A_3 {strides = array<i32>} : memref<1024xf32, #tpu.memory_space<vmem>>, vector<16xf32>,
    %swap3A_75 = arith.constant 272 : index
    %swap3A_76 = tpu.vector_load %arg9[%swap3A_75] {strides = array<i32>} : memref<1024xf32, #tpu.memory_space<vmem>>, vector<16xf32>,
    tpu.vector_store %arg9[%swap3A_75], %broadcast_in_dim3A_3 {strides = array<i32>} : memref<1024xf32, #tpu.memory_space<vmem>>, vector<16xf32>,
    %swap3A_77 = arith.constant 288 : index
    %swap3A_78 = tpu.vector_load %arg8[%swap3A_77] {strides = array<i32>} : memref<1024xf32, #tpu.memory_space<vmem>>, vector<16xf32>,
    tpu.vector_store %arg8[%swap3A_77], %broadcast_in_dim3A_3 {strides = array<i32>} : memref<1024xf32, #tpu.memory_space<vmem>>, vector<16xf32>,
    %swap3A_79 = arith.constant 288 : index
    %swap3A_80 = tpu.vector_load %arg9[%swap3A_79] {strides = array<i32>} : memref<1024xf32, #tpu.memory_space<vmem>>, vector<16xf32>,
    tpu.vector_store %arg9[%swap3A_79], %broadcast_in_dim3A_3 {strides = array<i32>} : memref<1024xf32, #tpu.memory_space<vmem>>, vector<16xf32>,
    %swap3A_81 = arith.constant 304 : index
    %swap3A_82 = tpu.vector_load %arg8[%swap3A_81] {strides = array<i32>} : memref<1024xf32, #tpu.memory_space<vmem>>, vector<16xf32>,
    tpu.vector_store %arg8[%swap3A_81], %broadcast_in_dim3A_3 {strides = array<i32>} : memref<1024xf32, #tpu.memory_space<vmem>>, vector<16xf32>,
    %swap3A_83 = arith.constant 304 : index
    %swap3A_84 = tpu.vector_load %arg9[%swap3A_83] {strides = array<i32>} : memref<1024xf32, #tpu.memory_space<vmem>>, vector<16xf32>,
    tpu.vector_store %arg9[%swap3A_83], %broadcast_in_dim3A_3 {strides = array<i32>} : memref<1024xf32, #tpu.memory_space<vmem>>, vector<16xf32>,
    %swap3A_85 = arith.constant 320 : index
    %swap3A_86 = tpu.vector_load %arg8[%swap3A_85] {strides = array<i32>} : memref<1024xf32, #tpu.memory_space<vmem>>, vector<16xf32>,
    tpu.vector_store %arg8[%swap3A_85], %broadcast_in_dim3A_3 {strides = array<i32>} : memref<1024xf32, #tpu.memory_space<vmem>>, vector<16xf32>,
    %swap3A_87 = arith.constant 320 : index
    %swap3A_88 = tpu.vector_load %arg9[%swap3A_87] {strides = array<i32>} : memref<1024xf32, #tpu.memory_space<vmem>>, vector<16xf32>,
    tpu.vector_store %arg9[%swap3A_87], %broadcast_in_dim3A_3 {strides = array<i32>} : memref<1024xf32, #tpu.memory_space<vmem>>, vector<16xf32>,
    %swap3A_89 = arith.constant 336 : index
    %swap3A_90 = tpu.vector_load %arg8[%swap3A_89] {strides = array<i32>} : memref<1024xf32, #tpu.memory_space<vmem>>, vector<16xf32>,
    tpu.vector_store %arg8[%swap3A_89], %broadcast_in_dim3A_3 {strides = array<i32>} : memref<1024xf32, #tpu.memory_space<vmem>>, vector<16xf32>,
    %swap3A_91 = arith.constant 336 : index
    %swap3A_92 = tpu.vector_load %arg9[%swap3A_91] {strides = array<i32>} : memref<1024xf32, #tpu.memory_space<vmem>>, vector<16xf32>,
    tpu.vector_store %arg9[%swap3A_91], %broadcast_in_dim3A_3 {strides = array<i32>} : memref<1024xf32, #tpu.memory_space<vmem>>, vector<16xf32>,
    %swap3A_93 = arith.constant 352 : index
    %swap3A_94 = tpu.vector_load %arg8[%swap3A_93] {strides = array<i32>} : memref<1024xf32, #tpu.memory_space<vmem>>, vector<16xf32>,
    tpu.vector_store %arg8[%swap3A_93], %broadcast_in_dim3A_3 {strides = array<i32>} : memref<1024xf32, #tpu.memory_space<vmem>>, vector<16xf32>,
    %swap3A_95 = arith.constant 352 : index
    %swap3A_96 = tpu.vector_load %arg9[%swap3A_95] {strides = array<i32>} : memref<1024xf32, #tpu.memory_space<vmem>>, vector<16xf32>,
    tpu.vector_store %arg9[%swap3A_95], %broadcast_in_dim3A_3 {strides = array<i32>} : memref<1024xf32, #tpu.memory_space<vmem>>, vector<16xf32>,
    %swap3A_97 = arith.constant 368 : index
    %swap3A_98 = tpu.vector_load %arg8[%swap3A_97] {strides = array<i32>} : memref<1024xf32, #tpu.memory_space<vmem>>, vector<16xf32>,
    tpu.vector_store %arg8[%swap3A_97], %broadcast_in_dim3A_3 {strides = array<i32>} : memref<1024xf32, #tpu.memory_space<vmem>>, vector<16xf32>,
    %swap3A_99 = arith.constant 368 : index
    %swap3A_100 = tpu.vector_load %arg9[%swap3A_99] {strides = array<i32>} : memref<1024xf32, #tpu.memory_space<vmem>>, vector<16xf32>,
    tpu.vector_store %arg9[%swap3A_99], %broadcast_in_dim3A_3 {strides = array<i32>} : memref<1024xf32, #tpu.memory_space<vmem>>, vector<16xf32>,
    %swap3A_101 = arith.constant 384 : index
    %swap3A_102 = tpu.vector_load %arg8[%swap3A_101] {strides = array<i32>} : memref<1024xf32, #tpu.memory_space<vmem>>, vector<16xf32>,
    tpu.vector_store %arg8[%swap3A_101], %broadcast_in_dim3A_3 {strides = array<i32>} : memref<1024xf32, #tpu.memory_space<vmem>>, vector<16xf32>,
    %swap3A_103 = arith.constant 384 : index
    %swap3A_104 = tpu.vector_load %arg9[%swap3A_103] {strides = array<i32>} : memref<1024xf32, #tpu.memory_space<vmem>>, vector<16xf32>,
    tpu.vector_store %arg9[%swap3A_103], %broadcast_in_dim3A_3 {strides = array<i32>} : memref<1024xf32, #tpu.memory_space<vmem>>, vector<16xf32>,
    %swap3A_105 = arith.constant 400 : index
    %swap3A_106 = tpu.vector_load %arg8[%swap3A_105] {strides = array<i32>} : memref<1024xf32, #tpu.memory_space<vmem>>, vector<16xf32>,
    tpu.vector_store %arg8[%swap3A_105], %broadcast_in_dim3A_3 {strides = array<i32>} : memref<1024xf32, #tpu.memory_space<vmem>>, vector<16xf32>,
    %swap3A_107 = arith.constant 400 : index
    %swap3A_108 = tpu.vector_load %arg9[%swap3A_107] {strides = array<i32>} : memref<1024xf32, #tpu.memory_space<vmem>>, vector<16xf32>,
    tpu.vector_store %arg9[%swap3A_107], %broadcast_in_dim3A_3 {strides = array<i32>} : memref<1024xf32, #tpu.memory_space<vmem>>, vector<16xf32>,
    %swap3A_109 = arith.constant 416 : index
    %swap3A_110 = tpu.vector_load %arg8[%swap3A_109] {strides = array<i32>} : memref<1024xf32, #tpu.memory_space<vmem>>, vector<16xf32>,
    tpu.vector_store %arg8[%swap3A_109], %broadcast_in_dim3A_3 {strides = array<i32>} : memref<1024xf32, #tpu.memory_space<vmem>>, vector<16xf32>,
    %swap3A_111 = arith.constant 416 : index
    %swap3A_112 = tpu.vector_load %arg9[%swap3A_111] {strides = array<i32>} : memref<1024xf32, #tpu.memory_space<vmem>>, vector<16xf32>,
    tpu.vector_store %arg9[%swap3A_111], %broadcast_in_dim3A_3 {strides = array<i32>} : memref<1024xf32, #tpu.memory_space<vmem>>, vector<16xf32>,
    %swap3A_113 = arith.constant 432 : index
    %swap3A_114 = tpu.vector_load %arg8[%swap3A_113] {strides = array<i32>} : memref<1024xf32, #tpu.memory_space<vmem>>, vector<16xf32>,
    tpu.vector_store %arg8[%swap3A_113], %broadcast_in_dim3A_3 {strides = array<i32>} : memref<1024xf32, #tpu.memory_space<vmem>>, vector<16xf32>,
    %swap3A_115 = arith.constant 432 : index
    %swap3A_116 = tpu.vector_load %arg9[%swap3A_115] {strides = array<i32>} : memref<1024xf32, #tpu.memory_space<vmem>>, vector<16xf32>,
    tpu.vector_store %arg9[%swap3A_115], %broadcast_in_dim3A_3 {strides = array<i32>} : memref<1024xf32, #tpu.memory_space<vmem>>, vector<16xf32>,
    %swap3A_117 = arith.constant 448 : index
    %swap3A_118 = tpu.vector_load %arg8[%swap3A_117] {strides = array<i32>} : memref<1024xf32, #tpu.memory_space<vmem>>, vector<16xf32>,
    tpu.vector_store %arg8[%swap3A_117], %broadcast_in_dim3A_3 {strides = array<i32>} : memref<1024xf32, #tpu.memory_space<vmem>>, vector<16xf32>,
    %swap3A_119 = arith.constant 448 : index
    %swap3A_120 = tpu.vector_load %arg9[%swap3A_119] {strides = array<i32>} : memref<1024xf32, #tpu.memory_space<vmem>>, vector<16xf32>,
    tpu.vector_store %arg9[%swap3A_119], %broadcast_in_dim3A_3 {strides = array<i32>} : memref<1024xf32, #tpu.memory_space<vmem>>, vector<16xf32>,
    %swap3A_121 = arith.constant 464 : index
    %swap3A_122 = tpu.vector_load %arg8[%swap3A_121] {strides = array<i32>} : memref<1024xf32, #tpu.memory_space<vmem>>, vector<16xf32>,
    tpu.vector_store %arg8[%swap3A_121], %broadcast_in_dim3A_3 {strides = array<i32>} : memref<1024xf32, #tpu.memory_space<vmem>>, vector<16xf32>,
    %swap3A_123 = arith.constant 464 : index
    %swap3A_124 = tpu.vector_load %arg9[%swap3A_123] {strides = array<i32>} : memref<1024xf32, #tpu.memory_space<vmem>>, vector<16xf32>,
    tpu.vector_store %arg9[%swap3A_123], %broadcast_in_dim3A_3 {strides = array<i32>} : memref<1024xf32, #tpu.memory_space<vmem>>, vector<16xf32>,
    %swap3A_125 = arith.constant 480 : index
    %swap3A_126 = tpu.vector_load %arg8[%swap3A_125] {strides = array<i32>} : memref<1024xf32, #tpu.memory_space<vmem>>, vector<16xf32>,
    tpu.vector_store %arg8[%swap3A_125], %broadcast_in_dim3A_3 {strides = array<i32>} : memref<1024xf32, #tpu.memory_space<vmem>>, vector<16xf32>,
    %swap3A_127 = arith.constant 480 : index
    %swap3A_128 = tpu.vector_load %arg9[%swap3A_127] {strides = array<i32>} : memref<1024xf32, #tpu.memory_space<vmem>>, vector<16xf32>,
    tpu.vector_store %arg9[%swap3A_127], %broadcast_in_dim3A_3 {strides = array<i32>} : memref<1024xf32, #tpu.memory_space<vmem>>, vector<16xf32>,
    %swap3A_129 = arith.constant 496 : index
    %swap3A_130 = tpu.vector_load %arg8[%swap3A_129] {strides = array<i32>} : memref<1024xf32, #tpu.memory_space<vmem>>, vector<16xf32>,
    tpu.vector_store %arg8[%swap3A_129], %broadcast_in_dim3A_3 {strides = array<i32>} : memref<1024xf32, #tpu.memory_space<vmem>>, vector<16xf32>,
    %swap3A_131 = arith.constant 496 : index
    %swap3A_132 = tpu.vector_load %arg9[%swap3A_131] {strides = array<i32>} : memref<1024xf32, #tpu.memory_space<vmem>>, vector<16xf32>,
    tpu.vector_store %arg9[%swap3A_131], %broadcast_in_dim3A_3 {strides = array<i32>} : memref<1024xf32, #tpu.memory_space<vmem>>, vector<16xf32>,
    %swap3A_133 = arith.constant 512 : index
    %swap3A_134 = tpu.vector_load %arg8[%swap3A_133] {strides = array<i32>} : memref<1024xf32, #tpu.memory_space<vmem>>, vector<16xf32>,
    tpu.vector_store %arg8[%swap3A_133], %broadcast_in_dim3A_3 {strides = array<i32>} : memref<1024xf32, #tpu.memory_space<vmem>>, vector<16xf32>,
    %swap3A_135 = arith.constant 512 : index
    %swap3A_136 = tpu.vector_load %arg9[%swap3A_135] {strides = array<i32>} : memref<1024xf32, #tpu.memory_space<vmem>>, vector<16xf32>,
    tpu.vector_store %arg9[%swap3A_135], %broadcast_in_dim3A_3 {strides = array<i32>} : memref<1024xf32, #tpu.memory_space<vmem>>, vector<16xf32>,
    %swap3A_137 = arith.constant 528 : index
    %swap3A_138 = tpu.vector_load %arg8[%swap3A_137] {strides = array<i32>} : memref<1024xf32, #tpu.memory_space<vmem>>, vector<16xf32>,
    tpu.vector_store %arg8[%swap3A_137], %broadcast_in_dim3A_3 {strides = array<i32>} : memref<1024xf32, #tpu.memory_space<vmem>>, vector<16xf32>,
    %swap3A_139 = arith.constant 528 : index
    %swap3A_140 = tpu.vector_load %arg9[%swap3A_139] {strides = array<i32>} : memref<1024xf32, #tpu.memory_space<vmem>>, vector<16xf32>,
    tpu.vector_store %arg9[%swap3A_139], %broadcast_in_dim3A_3 {strides = array<i32>} : memref<1024xf32, #tpu.memory_space<vmem>>, vector<16xf32>,
    %swap3A_141 = arith.constant 544 : index
    %swap3A_142 = tpu.vector_load %arg8[%swap3A_141] {strides = array<i32>} : memref<1024xf32, #tpu.memory_space<vmem>>, vector<16xf32>,
    tpu.vector_store %arg8[%swap3A_141], %broadcast_in_dim3A_3 {strides = array<i32>} : memref<1024xf32, #tpu.memory_space<vmem>>, vector<16xf32>,
    %swap3A_143 = arith.constant 544 : index
    %swap3A_144 = tpu.vector_load %arg9[%swap3A_143] {strides = array<i32>} : memref<1024xf32, #tpu.memory_space<vmem>>, vector<16xf32>,
    tpu.vector_store %arg9[%swap3A_143], %broadcast_in_dim3A_3 {strides = array<i32>} : memref<1024xf32, #tpu.memory_space<vmem>>, vector<16xf32>,
    %swap3A_145 = arith.constant 560 : index
    %swap3A_146 = tpu.vector_load %arg8[%swap3A_145] {strides = array<i32>} : memref<1024xf32, #tpu.memory_space<vmem>>, vector<16xf32>,
    tpu.vector_store %arg8[%swap3A_145], %broadcast_in_dim3A_3 {strides = array<i32>} : memref<1024xf32, #tpu.memory_space<vmem>>, vector<16xf32>,
    %swap3A_147 = arith.constant 560 : index
    %swap3A_148 = tpu.vector_load %arg9[%swap3A_147] {strides = array<i32>} : memref<1024xf32, #tpu.memory_space<vmem>>, vector<16xf32>,
    tpu.vector_store %arg9[%swap3A_147], %broadcast_in_dim3A_3 {strides = array<i32>} : memref<1024xf32, #tpu.memory_space<vmem>>, vector<16xf32>,
    %swap3A_149 = arith.constant 576 : index
    %swap3A_150 = tpu.vector_load %arg8[%swap3A_149] {strides = array<i32>} : memref<1024xf32, #tpu.memory_space<vmem>>, vector<16xf32>,
    tpu.vector_store %arg8[%swap3A_149], %broadcast_in_dim3A_3 {strides = array<i32>} : memref<1024xf32, #tpu.memory_space<vmem>>, vector<16xf32>,
    %swap3A_151 = arith.constant 576 : index
    %swap3A_152 = tpu.vector_load %arg9[%swap3A_151] {strides = array<i32>} : memref<1024xf32, #tpu.memory_space<vmem>>, vector<16xf32>,
    tpu.vector_store %arg9[%swap3A_151], %broadcast_in_dim3A_3 {strides = array<i32>} : memref<1024xf32, #tpu.memory_space<vmem>>, vector<16xf32>,
    %swap3A_153 = arith.constant 592 : index
    %swap3A_154 = tpu.vector_load %arg8[%swap3A_153] {strides = array<i32>} : memref<1024xf32, #tpu.memory_space<vmem>>, vector<16xf32>,
    tpu.vector_store %arg8[%swap3A_153], %broadcast_in_dim3A_3 {strides = array<i32>} : memref<1024xf32, #tpu.memory_space<vmem>>, vector<16xf32>,
    %swap3A_155 = arith.constant 592 : index
    %swap3A_156 = tpu.vector_load %arg9[%swap3A_155] {strides = array<i32>} : memref<1024xf32, #tpu.memory_space<vmem>>, vector<16xf32>,
    tpu.vector_store %arg9[%swap3A_155], %broadcast_in_dim3A_3 {strides = array<i32>} : memref<1024xf32, #tpu.memory_space<vmem>>, vector<16xf32>,
    %swap3A_157 = arith.constant 608 : index
    %swap3A_158 = tpu.vector_load %arg8[%swap3A_157] {strides = array<i32>} : memref<1024xf32, #tpu.memory_space<vmem>>, vector<16xf32>,
    tpu.vector_store %arg8[%swap3A_157], %broadcast_in_dim3A_3 {strides = array<i32>} : memref<1024xf32, #tpu.memory_space<vmem>>, vector<16xf32>,
    %swap3A_159 = arith.constant 608 : index
    %swap3A_160 = tpu.vector_load %arg9[%swap3A_159] {strides = array<i32>} : memref<1024xf32, #tpu.memory_space<vmem>>, vector<16xf32>,
    tpu.vector_store %arg9[%swap3A_159], %broadcast_in_dim3A_3 {strides = array<i32>} : memref<1024xf32, #tpu.memory_space<vmem>>, vector<16xf32>,
    %swap3A_161 = arith.constant 624 : index
    %swap3A_162 = tpu.vector_load %arg8[%swap3A_161] {strides = array<i32>} : memref<1024xf32, #tpu.memory_space<vmem>>, vector<16xf32>,
    tpu.vector_store %arg8[%swap3A_161], %broadcast_in_dim3A_3 {strides = array<i32>} : memref<1024xf32, #tpu.memory_space<vmem>>, vector<16xf32>,
    %swap3A_163 = arith.constant 624 : index
    %swap3A_164 = tpu.vector_load %arg9[%swap3A_163] {strides = array<i32>} : memref<1024xf32, #tpu.memory_space<vmem>>, vector<16xf32>,
    tpu.vector_store %arg9[%swap3A_163], %broadcast_in_dim3A_3 {strides = array<i32>} : memref<1024xf32, #tpu.memory_space<vmem>>, vector<16xf32>,
    %swap3A_165 = arith.constant 640 : index
    %swap3A_166 = tpu.vector_load %arg8[%swap3A_165] {strides = array<i32>} : memref<1024xf32, #tpu.memory_space<vmem>>, vector<16xf32>,
    tpu.vector_store %arg8[%swap3A_165], %broadcast_in_dim3A_3 {strides = array<i32>} : memref<1024xf32, #tpu.memory_space<vmem>>, vector<16xf32>,
    %swap3A_167 = arith.constant 640 : index
    %swap3A_168 = tpu.vector_load %arg9[%swap3A_167] {strides = array<i32>} : memref<1024xf32, #tpu.memory_space<vmem>>, vector<16xf32>,
    tpu.vector_store %arg9[%swap3A_167], %broadcast_in_dim3A_3 {strides = array<i32>} : memref<1024xf32, #tpu.memory_space<vmem>>, vector<16xf32>,
    %swap3A_169 = arith.constant 656 : index
    %swap3A_170 = tpu.vector_load %arg8[%swap3A_169] {strides = array<i32>} : memref<1024xf32, #tpu.memory_space<vmem>>, vector<16xf32>,
    tpu.vector_store %arg8[%swap3A_169], %broadcast_in_dim3A_3 {strides = array<i32>} : memref<1024xf32, #tpu.memory_space<vmem>>, vector<16xf32>,
    %swap3A_171 = arith.constant 656 : index
    %swap3A_172 = tpu.vector_load %arg9[%swap3A_171] {strides = array<i32>} : memref<1024xf32, #tpu.memory_space<vmem>>, vector<16xf32>,
    tpu.vector_store %arg9[%swap3A_171], %broadcast_in_dim3A_3 {strides = array<i32>} : memref<1024xf32, #tpu.memory_space<vmem>>, vector<16xf32>,
    %swap3A_173 = arith.constant 672 : index
    %swap3A_174 = tpu.vector_load %arg8[%swap3A_173] {strides = array<i32>} : memref<1024xf32, #tpu.memory_space<vmem>>, vector<16xf32>,
    tpu.vector_store %arg8[%swap3A_173], %broadcast_in_dim3A_3 {strides = array<i32>} : memref<1024xf32, #tpu.memory_space<vmem>>, vector<16xf32>,
    %swap3A_175 = arith.constant 672 : index
    %swap3A_176 = tpu.vector_load %arg9[%swap3A_175] {strides = array<i32>} : memref<1024xf32, #tpu.memory_space<vmem>>, vector<16xf32>,
    tpu.vector_store %arg9[%swap3A_175], %broadcast_in_dim3A_3 {strides = array<i32>} : memref<1024xf32, #tpu.memory_space<vmem>>, vector<16xf32>,
    %swap3A_177 = arith.constant 688 : index
    %swap3A_178 = tpu.vector_load %arg8[%swap3A_177] {strides = array<i32>} : memref<1024xf32, #tpu.memory_space<vmem>>, vector<16xf32>,
    tpu.vector_store %arg8[%swap3A_177], %broadcast_in_dim3A_3 {strides = array<i32>} : memref<1024xf32, #tpu.memory_space<vmem>>, vector<16xf32>,
    %swap3A_179 = arith.constant 688 : index
    %swap3A_180 = tpu.vector_load %arg9[%swap3A_179] {strides = array<i32>} : memref<1024xf32, #tpu.memory_space<vmem>>, vector<16xf32>,
    tpu.vector_store %arg9[%swap3A_179], %broadcast_in_dim3A_3 {strides = array<i32>} : memref<1024xf32, #tpu.memory_space<vmem>>, vector<16xf32>,
    %swap3A_181 = arith.constant 704 : index
    %swap3A_182 = tpu.vector_load %arg8[%swap3A_181] {strides = array<i32>} : memref<1024xf32, #tpu.memory_space<vmem>>, vector<16xf32>,
    tpu.vector_store %arg8[%swap3A_181], %broadcast_in_dim3A_3 {strides = array<i32>} : memref<1024xf32, #tpu.memory_space<vmem>>, vector<16xf32>,
    %swap3A_183 = arith.constant 704 : index
    %swap3A_184 = tpu.vector_load %arg9[%swap3A_183] {strides = array<i32>} : memref<1024xf32, #tpu.memory_space<vmem>>, vector<16xf32>,
    tpu.vector_store %arg9[%swap3A_183], %broadcast_in_dim3A_3 {strides = array<i32>} : memref<1024xf32, #tpu.memory_space<vmem>>, vector<16xf32>,
    %swap3A_185 = arith.constant 720 : index
    %swap3A_186 = tpu.vector_load %arg8[%swap3A_185] {strides = array<i32>} : memref<1024xf32, #tpu.memory_space<vmem>>, vector<16xf32>,
    tpu.vector_store %arg8[%swap3A_185], %broadcast_in_dim3A_3 {strides = array<i32>} : memref<1024xf32, #tpu.memory_space<vmem>>, vector<16xf32>,
    %swap3A_187 = arith.constant 720 : index
    %swap3A_188 = tpu.vector_load %arg9[%swap3A_187] {strides = array<i32>} : memref<1024xf32, #tpu.memory_space<vmem>>, vector<16xf32>,
    tpu.vector_store %arg9[%swap3A_187], %broadcast_in_dim3A_3 {strides = array<i32>} : memref<1024xf32, #tpu.memory_space<vmem>>, vector<16xf32>,
    %swap3A_189 = arith.constant 736 : index
    %swap3A_190 = tpu.vector_load %arg8[%swap3A_189] {strides = array<i32>} : memref<1024xf32, #tpu.memory_space<vmem>>, vector<16xf32>,
    tpu.vector_store %arg8[%swap3A_189], %broadcast_in_dim3A_3 {strides = array<i32>} : memref<1024xf32, #tpu.memory_space<vmem>>, vector<16xf32>,
    %swap3A_191 = arith.constant 736 : index
    %swap3A_192 = tpu.vector_load %arg9[%swap3A_191] {strides = array<i32>} : memref<1024xf32, #tpu.memory_space<vmem>>, vector<16xf32>,
    tpu.vector_store %arg9[%swap3A_191], %broadcast_in_dim3A_3 {strides = array<i32>} : memref<1024xf32, #tpu.memory_space<vmem>>, vector<16xf32>,
    %swap3A_193 = arith.constant 752 : index
    %swap3A_194 = tpu.vector_load %arg8[%swap3A_193] {strides = array<i32>} : memref<1024xf32, #tpu.memory_space<vmem>>, vector<16xf32>,
    tpu.vector_store %arg8[%swap3A_193], %broadcast_in_dim3A_3 {strides = array<i32>} : memref<1024xf32, #tpu.memory_space<vmem>>, vector<16xf32>,
    %swap3A_195 = arith.constant 752 : index
    %swap3A_196 = tpu.vector_load %arg9[%swap3A_195] {strides = array<i32>} : memref<1024xf32, #tpu.memory_space<vmem>>, vector<16xf32>,
    tpu.vector_store %arg9[%swap3A_195], %broadcast_in_dim3A_3 {strides = array<i32>} : memref<1024xf32, #tpu.memory_space<vmem>>, vector<16xf32>,
    %swap3A_197 = arith.constant 768 : index
    %swap3A_198 = tpu.vector_load %arg8[%swap3A_197] {strides = array<i32>} : memref<1024xf32, #tpu.memory_space<vmem>>, vector<16xf32>,
    tpu.vector_store %arg8[%swap3A_197], %broadcast_in_dim3A_3 {strides = array<i32>} : memref<1024xf32, #tpu.memory_space<vmem>>, vector<16xf32>,
    %swap3A_199 = arith.constant 768 : index
    %swap3A_200 = tpu.vector_load %arg9[%swap3A_199] {strides = array<i32>} : memref<1024xf32, #tpu.memory_space<vmem>>, vector<16xf32>,
    tpu.vector_store %arg9[%swap3A_199], %broadcast_in_dim3A_3 {strides = array<i32>} : memref<1024xf32, #tpu.memory_space<vmem>>, vector<16xf32>,
    %swap3A_201 = arith.constant 784 : index
    %swap3A_202 = tpu.vector_load %arg8[%swap3A_201] {strides = array<i32>} : memref<1024xf32, #tpu.memory_space<vmem>>, vector<16xf32>,
    tpu.vector_store %arg8[%swap3A_201], %broadcast_in_dim3A_3 {strides = array<i32>} : memref<1024xf32, #tpu.memory_space<vmem>>, vector<16xf32>,
    %swap3A_203 = arith.constant 784 : index
    %swap3A_204 = tpu.vector_load %arg9[%swap3A_203] {strides = array<i32>} : memref<1024xf32, #tpu.memory_space<vmem>>, vector<16xf32>,
    tpu.vector_store %arg9[%swap3A_203], %broadcast_in_dim3A_3 {strides = array<i32>} : memref<1024xf32, #tpu.memory_space<vmem>>, vector<16xf32>,
    %swap3A_205 = arith.constant 800 : index
    %swap3A_206 = tpu.vector_load %arg8[%swap3A_205] {strides = array<i32>} : memref<1024xf32, #tpu.memory_space<vmem>>, vector<16xf32>,
    tpu.vector_store %arg8[%swap3A_205], %broadcast_in_dim3A_3 {strides = array<i32>} : memref<1024xf32, #tpu.memory_space<vmem>>, vector<16xf32>,
    %swap3A_207 = arith.constant 800 : index
    %swap3A_208 = tpu.vector_load %arg9[%swap3A_207] {strides = array<i32>} : memref<1024xf32, #tpu.memory_space<vmem>>, vector<16xf32>,
    tpu.vector_store %arg9[%swap3A_207], %broadcast_in_dim3A_3 {strides = array<i32>} : memref<1024xf32, #tpu.memory_space<vmem>>, vector<16xf32>,
    %swap3A_209 = arith.constant 816 : index
    %swap3A_210 = tpu.vector_load %arg8[%swap3A_209] {strides = array<i32>} : memref<1024xf32, #tpu.memory_space<vmem>>, vector<16xf32>,
    tpu.vector_store %arg8[%swap3A_209], %broadcast_in_dim3A_3 {strides = array<i32>} : memref<1024xf32, #tpu.memory_space<vmem>>, vector<16xf32>,
    %swap3A_211 = arith.constant 816 : index
    %swap3A_212 = tpu.vector_load %arg9[%swap3A_211] {strides = array<i32>} : memref<1024xf32, #tpu.memory_space<vmem>>, vector<16xf32>,
    tpu.vector_store %arg9[%swap3A_211], %broadcast_in_dim3A_3 {strides = array<i32>} : memref<1024xf32, #tpu.memory_space<vmem>>, vector<16xf32>,
    %swap3A_213 = arith.constant 832 : index
    %swap3A_214 = tpu.vector_load %arg8[%swap3A_213] {strides = array<i32>} : memref<1024xf32, #tpu.memory_space<vmem>>, vector<16xf32>,
    tpu.vector_store %arg8[%swap3A_213], %broadcast_in_dim3A_3 {strides = array<i32>} : memref<1024xf32, #tpu.memory_space<vmem>>, vector<16xf32>,
    %swap3A_215 = arith.constant 832 : index
    %swap3A_216 = tpu.vector_load %arg9[%swap3A_215] {strides = array<i32>} : memref<1024xf32, #tpu.memory_space<vmem>>, vector<16xf32>,
    tpu.vector_store %arg9[%swap3A_215], %broadcast_in_dim3A_3 {strides = array<i32>} : memref<1024xf32, #tpu.memory_space<vmem>>, vector<16xf32>,
    %swap3A_217 = arith.constant 848 : index
    %swap3A_218 = tpu.vector_load %arg8[%swap3A_217] {strides = array<i32>} : memref<1024xf32, #tpu.memory_space<vmem>>, vector<16xf32>,
    tpu.vector_store %arg8[%swap3A_217], %broadcast_in_dim3A_3 {strides = array<i32>} : memref<1024xf32, #tpu.memory_space<vmem>>, vector<16xf32>,
    %swap3A_219 = arith.constant 848 : index
    %swap3A_220 = tpu.vector_load %arg9[%swap3A_219] {strides = array<i32>} : memref<1024xf32, #tpu.memory_space<vmem>>, vector<16xf32>,
    tpu.vector_store %arg9[%swap3A_219], %broadcast_in_dim3A_3 {strides = array<i32>} : memref<1024xf32, #tpu.memory_space<vmem>>, vector<16xf32>,
    %swap3A_221 = arith.constant 864 : index
    %swap3A_222 = tpu.vector_load %arg8[%swap3A_221] {strides = array<i32>} : memref<1024xf32, #tpu.memory_space<vmem>>, vector<16xf32>,
    tpu.vector_store %arg8[%swap3A_221], %broadcast_in_dim3A_3 {strides = array<i32>} : memref<1024xf32, #tpu.memory_space<vmem>>, vector<16xf32>,
    %swap3A_223 = arith.constant 864 : index
    %swap3A_224 = tpu.vector_load %arg9[%swap3A_223] {strides = array<i32>} : memref<1024xf32, #tpu.memory_space<vmem>>, vector<16xf32>,
    tpu.vector_store %arg9[%swap3A_223], %broadcast_in_dim3A_3 {strides = array<i32>} : memref<1024xf32, #tpu.memory_space<vmem>>, vector<16xf32>,
    %swap3A_225 = arith.constant 880 : index
    %swap3A_226 = tpu.vector_load %arg8[%swap3A_225] {strides = array<i32>} : memref<1024xf32, #tpu.memory_space<vmem>>, vector<16xf32>,
    tpu.vector_store %arg8[%swap3A_225], %broadcast_in_dim3A_3 {strides = array<i32>} : memref<1024xf32, #tpu.memory_space<vmem>>, vector<16xf32>,
    %swap3A_227 = arith.constant 880 : index
    %swap3A_228 = tpu.vector_load %arg9[%swap3A_227] {strides = array<i32>} : memref<1024xf32, #tpu.memory_space<vmem>>, vector<16xf32>,
    tpu.vector_store %arg9[%swap3A_227], %broadcast_in_dim3A_3 {strides = array<i32>} : memref<1024xf32, #tpu.memory_space<vmem>>, vector<16xf32>,
    %swap3A_229 = arith.constant 896 : index
    %swap3A_230 = tpu.vector_load %arg8[%swap3A_229] {strides = array<i32>} : memref<1024xf32, #tpu.memory_space<vmem>>, vector<16xf32>,
    tpu.vector_store %arg8[%swap3A_229], %broadcast_in_dim3A_3 {strides = array<i32>} : memref<1024xf32, #tpu.memory_space<vmem>>, vector<16xf32>,
    %swap3A_231 = arith.constant 896 : index
    %swap3A_232 = tpu.vector_load %arg9[%swap3A_231] {strides = array<i32>} : memref<1024xf32, #tpu.memory_space<vmem>>, vector<16xf32>,
    tpu.vector_store %arg9[%swap3A_231], %broadcast_in_dim3A_3 {strides = array<i32>} : memref<1024xf32, #tpu.memory_space<vmem>>, vector<16xf32>,
    %swap3A_233 = arith.constant 912 : index
    %swap3A_234 = tpu.vector_load %arg8[%swap3A_233] {strides = array<i32>} : memref<1024xf32, #tpu.memory_space<vmem>>, vector<16xf32>,
    tpu.vector_store %arg8[%swap3A_233], %broadcast_in_dim3A_3 {strides = array<i32>} : memref<1024xf32, #tpu.memory_space<vmem>>, vector<16xf32>,
    %swap3A_235 = arith.constant 912 : index
    %swap3A_236 = tpu.vector_load %arg9[%swap3A_235] {strides = array<i32>} : memref<1024xf32, #tpu.memory_space<vmem>>, vector<16xf32>,
    tpu.vector_store %arg9[%swap3A_235], %broadcast_in_dim3A_3 {strides = array<i32>} : memref<1024xf32, #tpu.memory_space<vmem>>, vector<16xf32>,
    %swap3A_237 = arith.constant 928 : index
    %swap3A_238 = tpu.vector_load %arg8[%swap3A_237] {strides = array<i32>} : memref<1024xf32, #tpu.memory_space<vmem>>, vector<16xf32>,
    tpu.vector_store %arg8[%swap3A_237], %broadcast_in_dim3A_3 {strides = array<i32>} : memref<1024xf32, #tpu.memory_space<vmem>>, vector<16xf32>,
    %swap3A_239 = arith.constant 928 : index
    %swap3A_240 = tpu.vector_load %arg9[%swap3A_239] {strides = array<i32>} : memref<1024xf32, #tpu.memory_space<vmem>>, vector<16xf32>,
    tpu.vector_store %arg9[%swap3A_239], %broadcast_in_dim3A_3 {strides = array<i32>} : memref<1024xf32, #tpu.memory_space<vmem>>, vector<16xf32>,
    %swap3A_241 = arith.constant 944 : index
    %swap3A_242 = tpu.vector_load %arg8[%swap3A_241] {strides = array<i32>} : memref<1024xf32, #tpu.memory_space<vmem>>, vector<16xf32>,
    tpu.vector_store %arg8[%swap3A_241], %broadcast_in_dim3A_3 {strides = array<i32>} : memref<1024xf32, #tpu.memory_space<vmem>>, vector<16xf32>,
    %swap3A_243 = arith.constant 944 : index
    %swap3A_244 = tpu.vector_load %arg9[%swap3A_243] {strides = array<i32>} : memref<1024xf32, #tpu.memory_space<vmem>>, vector<16xf32>,
    tpu.vector_store %arg9[%swap3A_243], %broadcast_in_dim3A_3 {strides = array<i32>} : memref<1024xf32, #tpu.memory_space<vmem>>, vector<16xf32>,
    %swap3A_245 = arith.constant 960 : index
    %swap3A_246 = tpu.vector_load %arg8[%swap3A_245] {strides = array<i32>} : memref<1024xf32, #tpu.memory_space<vmem>>, vector<16xf32>,
    tpu.vector_store %arg8[%swap3A_245], %broadcast_in_dim3A_3 {strides = array<i32>} : memref<1024xf32, #tpu.memory_space<vmem>>, vector<16xf32>,
    %swap3A_247 = arith.constant 960 : index
    %swap3A_248 = tpu.vector_load %arg9[%swap3A_247] {strides = array<i32>} : memref<1024xf32, #tpu.memory_space<vmem>>, vector<16xf32>,
    tpu.vector_store %arg9[%swap3A_247], %broadcast_in_dim3A_3 {strides = array<i32>} : memref<1024xf32, #tpu.memory_space<vmem>>, vector<16xf32>,
    %swap3A_249 = arith.constant 976 : index
    %swap3A_250 = tpu.vector_load %arg8[%swap3A_249] {strides = array<i32>} : memref<1024xf32, #tpu.memory_space<vmem>>, vector<16xf32>,
    tpu.vector_store %arg8[%swap3A_249], %broadcast_in_dim3A_3 {strides = array<i32>} : memref<1024xf32, #tpu.memory_space<vmem>>, vector<16xf32>,
    %swap3A_251 = arith.constant 976 : index
    %swap3A_252 = tpu.vector_load %arg9[%swap3A_251] {strides = array<i32>} : memref<1024xf32, #tpu.memory_space<vmem>>, vector<16xf32>,
    tpu.vector_store %arg9[%swap3A_251], %broadcast_in_dim3A_3 {strides = array<i32>} : memref<1024xf32, #tpu.memory_space<vmem>>, vector<16xf32>,
    %swap3A_253 = arith.constant 992 : index
    %swap3A_254 = tpu.vector_load %arg8[%swap3A_253] {strides = array<i32>} : memref<1024xf32, #tpu.memory_space<vmem>>, vector<16xf32>,
    tpu.vector_store %arg8[%swap3A_253], %broadcast_in_dim3A_3 {strides = array<i32>} : memref<1024xf32, #tpu.memory_space<vmem>>, vector<16xf32>,
    %swap3A_255 = arith.constant 992 : index
    %swap3A_256 = tpu.vector_load %arg9[%swap3A_255] {strides = array<i32>} : memref<1024xf32, #tpu.memory_space<vmem>>, vector<16xf32>,
    tpu.vector_store %arg9[%swap3A_255], %broadcast_in_dim3A_3 {strides = array<i32>} : memref<1024xf32, #tpu.memory_space<vmem>>, vector<16xf32>,
    %swap3A_257 = arith.constant 1008 : index
    %swap3A_258 = tpu.vector_load %arg8[%swap3A_257] {strides = array<i32>} : memref<1024xf32, #tpu.memory_space<vmem>>, vector<16xf32>,
    tpu.vector_store %arg8[%swap3A_257], %broadcast_in_dim3A_3 {strides = array<i32>} : memref<1024xf32, #tpu.memory_space<vmem>>, vector<16xf32>,
    %swap3A_259 = arith.constant 1008 : index
    %swap3A_260 = tpu.vector_load %arg9[%swap3A_259] {strides = array<i32>} : memref<1024xf32, #tpu.memory_space<vmem>>, vector<16xf32>,
    tpu.vector_store %arg9[%swap3A_259], %broadcast_in_dim3A_3 {strides = array<i32>} : memref<1024xf32, #tpu.memory_space<vmem>>, vector<16xf32>,
    %iota3A = tpu.iota {dimensions = array<i32: 0>} : vector<16xi32>
    %ge3A = arith.constant 12 : i32
    %ge3A_261 = vector.broadcast %ge3A : i32 to vector<16xi32>
    %ge3A_262 = arith.cmpi sge, %iota3A, %ge3A_261 : vector<16xi32>
    %broadcast_in_dim3A_263 = arith.constant -65536 : i32
    %broadcast_in_dim3A_264 = vector.broadcast %broadcast_in_dim3A_263 : i32 to vector<16xi32>
    %scan3A = arith.constant 0 : i32
    %scan3A_265 = arith.constant 0 : i32
    %scan3A_266 = arith.constant 16 : i32
    %scan3A_267 = arith.addi %scan3A_265, %scan3A_266 : i32
    %scan3A_268 = arith.constant 1 : i32
    scf.for %scan3A_270 = %scan3A_265 to %scan3A_267 step %scan3A_268  : i32 {
      %mul3A_271 = arith.constant 2 : i32
      %mul3A_272 = arith.muli %mul3A_271, %scan3A_270 : i32
      %get3A = arith.index_cast %mul3A_272 : i32 to index
      %get3A_273 = arith.constant 0 : index
      %get3A_274 = tpu.vector_load %arg5[%get3A, %get3A_273] {strides = array<i32>} : memref<32x100xi32, #tpu.memory_space<vmem>>, vector<16xi32>,
      %get3A_275 = arith.index_cast %mul3A_272 : i32 to index
      %get3A_276 = arith.constant 16 : index
      %get3A_277 = tpu.vector_load %arg5[%get3A_275, %get3A_276] {strides = array<i32>} : memref<32x100xi32, #tpu.memory_space<vmem>>, vector<16xi32>,
      %get3A_278 = arith.index_cast %mul3A_272 : i32 to index
      %get3A_279 = arith.constant 32 : index
      %get3A_280 = tpu.vector_load %arg5[%get3A_278, %get3A_279] {strides = array<i32>} : memref<32x100xi32, #tpu.memory_space<vmem>>, vector<16xi32>,
      %get3A_281 = arith.index_cast %mul3A_272 : i32 to index
      %get3A_282 = arith.constant 48 : index
      %get3A_283 = tpu.vector_load %arg5[%get3A_281, %get3A_282] {strides = array<i32>} : memref<32x100xi32, #tpu.memory_space<vmem>>, vector<16xi32>,
      %get3A_284 = arith.index_cast %mul3A_272 : i32 to index
      %get3A_285 = arith.constant 64 : index
      %get3A_286 = tpu.vector_load %arg5[%get3A_284, %get3A_285] {strides = array<i32>} : memref<32x100xi32, #tpu.memory_space<vmem>>, vector<16xi32>,
      %get3A_287 = arith.index_cast %mul3A_272 : i32 to index
      %get3A_288 = arith.constant 80 : index
      %get3A_289 = tpu.vector_load %arg5[%get3A_287, %get3A_288] {strides = array<i32>} : memref<32x100xi32, #tpu.memory_space<vmem>>, vector<16xi32>,
      %get3A_290 = arith.index_cast %mul3A_272 : i32 to index
      %get3A_291 = arith.constant 84 : index
      %get3A_292 = tpu.vector_load %arg5[%get3A_290, %get3A_291] {strides = array<i32>} : memref<32x100xi32, #tpu.memory_space<vmem>>, vector<16xi32>,
      tpu.vector_store_idx %arg8[%get3A_274], %broadcast_in_dim3A_5 {add = true} : memref<1024xf32, #tpu.memory_space<vmem>>[vector<16xi32>], vector<16xf32>,
      tpu.vector_store_idx %arg8[%get3A_277], %broadcast_in_dim3A_5 {add = true} : memref<1024xf32, #tpu.memory_space<vmem>>[vector<16xi32>], vector<16xf32>,
      tpu.vector_store_idx %arg8[%get3A_280], %broadcast_in_dim3A_5 {add = true} : memref<1024xf32, #tpu.memory_space<vmem>>[vector<16xi32>], vector<16xf32>,
      tpu.vector_store_idx %arg8[%get3A_283], %broadcast_in_dim3A_5 {add = true} : memref<1024xf32, #tpu.memory_space<vmem>>[vector<16xi32>], vector<16xf32>,
      tpu.vector_store_idx %arg8[%get3A_286], %broadcast_in_dim3A_5 {add = true} : memref<1024xf32, #tpu.memory_space<vmem>>[vector<16xi32>], vector<16xf32>,
      tpu.vector_store_idx %arg8[%get3A_289], %broadcast_in_dim3A_5 {add = true} : memref<1024xf32, #tpu.memory_space<vmem>>[vector<16xi32>], vector<16xf32>,
      tpu.vector_store_idx %arg8[%get3A_292], %broadcast_in_dim3A_5 masked %ge3A_262 {add = true} : memref<1024xf32, #tpu.memory_space<vmem>>[vector<16xi32>], vector<16xf32>, vector<16xi1>
      %gather3A = tpu.vector_load_idx %arg8[%get3A_274] : memref<1024xf32, #tpu.memory_space<vmem>>[vector<16xi32>], vector<16xf32>,
      %gather3A_293 = tpu.vector_load_idx %arg7[%get3A_274] : memref<1008xf32, #tpu.memory_space<vmem>>[vector<16xi32>], vector<16xf32>,
      %bitcast3A = vector.bitcast %gather3A_293 : vector<16xf32> to vector<16xi32>
      %and3A = arith.andi %bitcast3A, %broadcast_in_dim3A_264 : vector<16xi32>
      %bitcast3A_294 = vector.bitcast %and3A : vector<16xi32> to vector<16xf32>
      %shift_left3A = arith.constant 16 : i32
      %shift_left3A_295 = vector.broadcast %shift_left3A : i32 to vector<16xi32>
      %shift_left3A_296 = arith.shli %bitcast3A, %shift_left3A_295 : vector<16xi32>
      %bitcast3A_297 = vector.bitcast %shift_left3A_296 : vector<16xi32> to vector<16xf32>
      %mul3A_298 = arith.mulf %bitcast3A_297, %gather3A : vector<16xf32>
      %sub3A = arith.subf %bitcast3A_294, %mul3A_298 : vector<16xf32>
      %mul3A_299 = arith.mulf %gather3A, %sub3A : vector<16xf32>
      %swap3A_300 = arith.index_cast %mul3A_272 : i32 to index
      %swap3A_301 = arith.constant 0 : index
      %swap3A_302 = tpu.vector_load %arg6[%swap3A_300, %swap3A_301] {strides = array<i32>} : memref<32x100xf32, #tpu.memory_space<vmem>>, vector<16xf32>,
      tpu.vector_store %arg6[%swap3A_300, %swap3A_301], %mul3A_299 {strides = array<i32>} : memref<32x100xf32, #tpu.memory_space<vmem>>, vector<16xf32>,
      %gather3A_303 = tpu.vector_load_idx %arg8[%get3A_277] : memref<1024xf32, #tpu.memory_space<vmem>>[vector<16xi32>], vector<16xf32>,
      %gather3A_304 = tpu.vector_load_idx %arg7[%get3A_277] : memref<1008xf32, #tpu.memory_space<vmem>>[vector<16xi32>], vector<16xf32>,
      %bitcast3A_305 = vector.bitcast %gather3A_304 : vector<16xf32> to vector<16xi32>
      %and3A_306 = arith.andi %bitcast3A_305, %broadcast_in_dim3A_264 : vector<16xi32>
      %bitcast3A_307 = vector.bitcast %and3A_306 : vector<16xi32> to vector<16xf32>
      %shift_left3A_308 = arith.constant 16 : i32
      %shift_left3A_309 = vector.broadcast %shift_left3A_308 : i32 to vector<16xi32>
      %shift_left3A_310 = arith.shli %bitcast3A_305, %shift_left3A_309 : vector<16xi32>
      %bitcast3A_311 = vector.bitcast %shift_left3A_310 : vector<16xi32> to vector<16xf32>
      %mul3A_312 = arith.mulf %bitcast3A_311, %gather3A_303 : vector<16xf32>
      %sub3A_313 = arith.subf %bitcast3A_307, %mul3A_312 : vector<16xf32>
      %mul3A_314 = arith.mulf %gather3A_303, %sub3A_313 : vector<16xf32>
      %swap3A_315 = arith.index_cast %mul3A_272 : i32 to index
      %swap3A_316 = arith.constant 16 : index
      %swap3A_317 = tpu.vector_load %arg6[%swap3A_315, %swap3A_316] {strides = array<i32>} : memref<32x100xf32, #tpu.memory_space<vmem>>, vector<16xf32>,
      tpu.vector_store %arg6[%swap3A_315, %swap3A_316], %mul3A_314 {strides = array<i32>} : memref<32x100xf32, #tpu.memory_space<vmem>>, vector<16xf32>,
      %gather3A_318 = tpu.vector_load_idx %arg8[%get3A_280] : memref<1024xf32, #tpu.memory_space<vmem>>[vector<16xi32>], vector<16xf32>,
      %gather3A_319 = tpu.vector_load_idx %arg7[%get3A_280] : memref<1008xf32, #tpu.memory_space<vmem>>[vector<16xi32>], vector<16xf32>,
      %bitcast3A_320 = vector.bitcast %gather3A_319 : vector<16xf32> to vector<16xi32>
      %and3A_321 = arith.andi %bitcast3A_320, %broadcast_in_dim3A_264 : vector<16xi32>
      %bitcast3A_322 = vector.bitcast %and3A_321 : vector<16xi32> to vector<16xf32>
      %shift_left3A_323 = arith.constant 16 : i32
      %shift_left3A_324 = vector.broadcast %shift_left3A_323 : i32 to vector<16xi32>
      %shift_left3A_325 = arith.shli %bitcast3A_320, %shift_left3A_324 : vector<16xi32>
      %bitcast3A_326 = vector.bitcast %shift_left3A_325 : vector<16xi32> to vector<16xf32>
      %mul3A_327 = arith.mulf %bitcast3A_326, %gather3A_318 : vector<16xf32>
      %sub3A_328 = arith.subf %bitcast3A_322, %mul3A_327 : vector<16xf32>
      %mul3A_329 = arith.mulf %gather3A_318, %sub3A_328 : vector<16xf32>
      %swap3A_330 = arith.index_cast %mul3A_272 : i32 to index
      %swap3A_331 = arith.constant 32 : index
      %swap3A_332 = tpu.vector_load %arg6[%swap3A_330, %swap3A_331] {strides = array<i32>} : memref<32x100xf32, #tpu.memory_space<vmem>>, vector<16xf32>,
      tpu.vector_store %arg6[%swap3A_330, %swap3A_331], %mul3A_329 {strides = array<i32>} : memref<32x100xf32, #tpu.memory_space<vmem>>, vector<16xf32>,
      %gather3A_333 = tpu.vector_load_idx %arg8[%get3A_283] : memref<1024xf32, #tpu.memory_space<vmem>>[vector<16xi32>], vector<16xf32>,
      %gather3A_334 = tpu.vector_load_idx %arg7[%get3A_283] : memref<1008xf32, #tpu.memory_space<vmem>>[vector<16xi32>], vector<16xf32>,
      %bitcast3A_335 = vector.bitcast %gather3A_334 : vector<16xf32> to vector<16xi32>
      %and3A_336 = arith.andi %bitcast3A_335, %broadcast_in_dim3A_264 : vector<16xi32>
      %bitcast3A_337 = vector.bitcast %and3A_336 : vector<16xi32> to vector<16xf32>
      %shift_left3A_338 = arith.constant 16 : i32
      %shift_left3A_339 = vector.broadcast %shift_left3A_338 : i32 to vector<16xi32>
      %shift_left3A_340 = arith.shli %bitcast3A_335, %shift_left3A_339 : vector<16xi32>
      %bitcast3A_341 = vector.bitcast %shift_left3A_340 : vector<16xi32> to vector<16xf32>
      %mul3A_342 = arith.mulf %bitcast3A_341, %gather3A_333 : vector<16xf32>
      %sub3A_343 = arith.subf %bitcast3A_337, %mul3A_342 : vector<16xf32>
      %mul3A_344 = arith.mulf %gather3A_333, %sub3A_343 : vector<16xf32>
      %swap3A_345 = arith.index_cast %mul3A_272 : i32 to index
      %swap3A_346 = arith.constant 48 : index
      %swap3A_347 = tpu.vector_load %arg6[%swap3A_345, %swap3A_346] {strides = array<i32>} : memref<32x100xf32, #tpu.memory_space<vmem>>, vector<16xf32>,
      tpu.vector_store %arg6[%swap3A_345, %swap3A_346], %mul3A_344 {strides = array<i32>} : memref<32x100xf32, #tpu.memory_space<vmem>>, vector<16xf32>,
      %gather3A_348 = tpu.vector_load_idx %arg8[%get3A_286] : memref<1024xf32, #tpu.memory_space<vmem>>[vector<16xi32>], vector<16xf32>,
      %gather3A_349 = tpu.vector_load_idx %arg7[%get3A_286] : memref<1008xf32, #tpu.memory_space<vmem>>[vector<16xi32>], vector<16xf32>,
      %bitcast3A_350 = vector.bitcast %gather3A_349 : vector<16xf32> to vector<16xi32>
      %and3A_351 = arith.andi %bitcast3A_350, %broadcast_in_dim3A_264 : vector<16xi32>
      %bitcast3A_352 = vector.bitcast %and3A_351 : vector<16xi32> to vector<16xf32>
      %shift_left3A_353 = arith.constant 16 : i32
      %shift_left3A_354 = vector.broadcast %shift_left3A_353 : i32 to vector<16xi32>
      %shift_left3A_355 = arith.shli %bitcast3A_350, %shift_left3A_354 : vector<16xi32>
      %bitcast3A_356 = vector.bitcast %shift_left3A_355 : vector<16xi32> to vector<16xf32>
      %mul3A_357 = arith.mulf %bitcast3A_356, %gather3A_348 : vector<16xf32>
      %sub3A_358 = arith.subf %bitcast3A_352, %mul3A_357 : vector<16xf32>
      %mul3A_359 = arith.mulf %gather3A_348, %sub3A_358 : vector<16xf32>
      %swap3A_360 = arith.index_cast %mul3A_272 : i32 to index
      %swap3A_361 = arith.constant 64 : index
      %swap3A_362 = tpu.vector_load %arg6[%swap3A_360, %swap3A_361] {strides = array<i32>} : memref<32x100xf32, #tpu.memory_space<vmem>>, vector<16xf32>,
      tpu.vector_store %arg6[%swap3A_360, %swap3A_361], %mul3A_359 {strides = array<i32>} : memref<32x100xf32, #tpu.memory_space<vmem>>, vector<16xf32>,
      %gather3A_363 = tpu.vector_load_idx %arg8[%get3A_289] : memref<1024xf32, #tpu.memory_space<vmem>>[vector<16xi32>], vector<16xf32>,
      %gather3A_364 = tpu.vector_load_idx %arg7[%get3A_289] : memref<1008xf32, #tpu.memory_space<vmem>>[vector<16xi32>], vector<16xf32>,
      %bitcast3A_365 = vector.bitcast %gather3A_364 : vector<16xf32> to vector<16xi32>
      %and3A_366 = arith.andi %bitcast3A_365, %broadcast_in_dim3A_264 : vector<16xi32>
      %bitcast3A_367 = vector.bitcast %and3A_366 : vector<16xi32> to vector<16xf32>
      %shift_left3A_368 = arith.constant 16 : i32
      %shift_left3A_369 = vector.broadcast %shift_left3A_368 : i32 to vector<16xi32>
      %shift_left3A_370 = arith.shli %bitcast3A_365, %shift_left3A_369 : vector<16xi32>
      %bitcast3A_371 = vector.bitcast %shift_left3A_370 : vector<16xi32> to vector<16xf32>
      %mul3A_372 = arith.mulf %bitcast3A_371, %gather3A_363 : vector<16xf32>
      %sub3A_373 = arith.subf %bitcast3A_367, %mul3A_372 : vector<16xf32>
      %mul3A_374 = arith.mulf %gather3A_363, %sub3A_373 : vector<16xf32>
      %swap3A_375 = arith.index_cast %mul3A_272 : i32 to index
      %swap3A_376 = arith.constant 80 : index
      %swap3A_377 = tpu.vector_load %arg6[%swap3A_375, %swap3A_376] {strides = array<i32>} : memref<32x100xf32, #tpu.memory_space<vmem>>, vector<16xf32>,
      tpu.vector_store %arg6[%swap3A_375, %swap3A_376], %mul3A_374 {strides = array<i32>} : memref<32x100xf32, #tpu.memory_space<vmem>>, vector<16xf32>,
      %gather3A_378 = tpu.vector_load_idx %arg8[%get3A_292] : memref<1024xf32, #tpu.memory_space<vmem>>[vector<16xi32>], vector<16xf32>,
      %gather3A_379 = tpu.vector_load_idx %arg7[%get3A_292] : memref<1008xf32, #tpu.memory_space<vmem>>[vector<16xi32>], vector<16xf32>,
      %bitcast3A_380 = vector.bitcast %gather3A_379 : vector<16xf32> to vector<16xi32>
      %and3A_381 = arith.andi %bitcast3A_380, %broadcast_in_dim3A_264 : vector<16xi32>
      %bitcast3A_382 = vector.bitcast %and3A_381 : vector<16xi32> to vector<16xf32>
      %shift_left3A_383 = arith.constant 16 : i32
      %shift_left3A_384 = vector.broadcast %shift_left3A_383 : i32 to vector<16xi32>
      %shift_left3A_385 = arith.shli %bitcast3A_380, %shift_left3A_384 : vector<16xi32>
      %bitcast3A_386 = vector.bitcast %shift_left3A_385 : vector<16xi32> to vector<16xf32>
      %mul3A_387 = arith.mulf %bitcast3A_386, %gather3A_378 : vector<16xf32>
      %sub3A_388 = arith.subf %bitcast3A_382, %mul3A_387 : vector<16xf32>
      %mul3A_389 = arith.mulf %gather3A_378, %sub3A_388 : vector<16xf32>
      %swap3A_390 = arith.index_cast %mul3A_272 : i32 to index
      %swap3A_391 = arith.constant 84 : index
      %swap3A_392 = tpu.vector_load %arg6[%swap3A_390, %swap3A_391] {strides = array<i32>} : memref<32x100xf32, #tpu.memory_space<vmem>>, vector<16xf32>,
      tpu.vector_store %arg6[%swap3A_390, %swap3A_391], %mul3A_389 {strides = array<i32>} : memref<32x100xf32, #tpu.memory_space<vmem>>, vector<16xf32>,
      tpu.vector_store_idx %arg8[%get3A_274], %broadcast_in_dim3A_3 : memref<1024xf32, #tpu.memory_space<vmem>>[vector<16xi32>], vector<16xf32>,
      tpu.vector_store_idx %arg8[%get3A_277], %broadcast_in_dim3A_3 : memref<1024xf32, #tpu.memory_space<vmem>>[vector<16xi32>], vector<16xf32>,
      tpu.vector_store_idx %arg8[%get3A_280], %broadcast_in_dim3A_3 : memref<1024xf32, #tpu.memory_space<vmem>>[vector<16xi32>], vector<16xf32>,
      tpu.vector_store_idx %arg8[%get3A_283], %broadcast_in_dim3A_3 : memref<1024xf32, #tpu.memory_space<vmem>>[vector<16xi32>], vector<16xf32>,
      tpu.vector_store_idx %arg8[%get3A_286], %broadcast_in_dim3A_3 : memref<1024xf32, #tpu.memory_space<vmem>>[vector<16xi32>], vector<16xf32>,
      tpu.vector_store_idx %arg8[%get3A_289], %broadcast_in_dim3A_3 : memref<1024xf32, #tpu.memory_space<vmem>>[vector<16xi32>], vector<16xf32>,
      tpu.vector_store_idx %arg8[%get3A_292], %broadcast_in_dim3A_3 masked %ge3A_262 : memref<1024xf32, #tpu.memory_space<vmem>>[vector<16xi32>], vector<16xf32>, vector<16xi1>
      %mul3A_393 = arith.constant 2 : i32
      %mul3A_394 = arith.muli %mul3A_393, %scan3A_270 : i32
      %add3A_395 = arith.constant 1 : i32
      %add3A_396 = arith.addi %mul3A_394, %add3A_395 : i32
      %get3A_397 = arith.index_cast %add3A_396 : i32 to index
      %get3A_398 = arith.constant 0 : index
      %get3A_399 = tpu.vector_load %arg5[%get3A_397, %get3A_398] {strides = array<i32>} : memref<32x100xi32, #tpu.memory_space<vmem>>, vector<16xi32>,
      %get3A_400 = arith.index_cast %add3A_396 : i32 to index
      %get3A_401 = arith.constant 16 : index
      %get3A_402 = tpu.vector_load %arg5[%get3A_400, %get3A_401] {strides = array<i32>} : memref<32x100xi32, #tpu.memory_space<vmem>>, vector<16xi32>,
      %get3A_403 = arith.index_cast %add3A_396 : i32 to index
      %get3A_404 = arith.constant 32 : index
      %get3A_405 = tpu.vector_load %arg5[%get3A_403, %get3A_404] {strides = array<i32>} : memref<32x100xi32, #tpu.memory_space<vmem>>, vector<16xi32>,
      %get3A_406 = arith.index_cast %add3A_396 : i32 to index
      %get3A_407 = arith.constant 48 : index
      %get3A_408 = tpu.vector_load %arg5[%get3A_406, %get3A_407] {strides = array<i32>} : memref<32x100xi32, #tpu.memory_space<vmem>>, vector<16xi32>,
      %get3A_409 = arith.index_cast %add3A_396 : i32 to index
      %get3A_410 = arith.constant 64 : index
      %get3A_411 = tpu.vector_load %arg5[%get3A_409, %get3A_410] {strides = array<i32>} : memref<32x100xi32, #tpu.memory_space<vmem>>, vector<16xi32>,
      %get3A_412 = arith.index_cast %add3A_396 : i32 to index
      %get3A_413 = arith.constant 80 : index
      %get3A_414 = tpu.vector_load %arg5[%get3A_412, %get3A_413] {strides = array<i32>} : memref<32x100xi32, #tpu.memory_space<vmem>>, vector<16xi32>,
      %get3A_415 = arith.index_cast %add3A_396 : i32 to index
      %get3A_416 = arith.constant 84 : index
      %get3A_417 = tpu.vector_load %arg5[%get3A_415, %get3A_416] {strides = array<i32>} : memref<32x100xi32, #tpu.memory_space<vmem>>, vector<16xi32>,
      tpu.vector_store_idx %arg9[%get3A_399], %broadcast_in_dim3A_5 {add = true} : memref<1024xf32, #tpu.memory_space<vmem>>[vector<16xi32>], vector<16xf32>,
      tpu.vector_store_idx %arg9[%get3A_402], %broadcast_in_dim3A_5 {add = true} : memref<1024xf32, #tpu.memory_space<vmem>>[vector<16xi32>], vector<16xf32>,
      tpu.vector_store_idx %arg9[%get3A_405], %broadcast_in_dim3A_5 {add = true} : memref<1024xf32, #tpu.memory_space<vmem>>[vector<16xi32>], vector<16xf32>,
      tpu.vector_store_idx %arg9[%get3A_408], %broadcast_in_dim3A_5 {add = true} : memref<1024xf32, #tpu.memory_space<vmem>>[vector<16xi32>], vector<16xf32>,
      tpu.vector_store_idx %arg9[%get3A_411], %broadcast_in_dim3A_5 {add = true} : memref<1024xf32, #tpu.memory_space<vmem>>[vector<16xi32>], vector<16xf32>,
      tpu.vector_store_idx %arg9[%get3A_414], %broadcast_in_dim3A_5 {add = true} : memref<1024xf32, #tpu.memory_space<vmem>>[vector<16xi32>], vector<16xf32>,
      tpu.vector_store_idx %arg9[%get3A_417], %broadcast_in_dim3A_5 masked %ge3A_262 {add = true} : memref<1024xf32, #tpu.memory_space<vmem>>[vector<16xi32>], vector<16xf32>, vector<16xi1>
      %gather3A_418 = tpu.vector_load_idx %arg9[%get3A_399] : memref<1024xf32, #tpu.memory_space<vmem>>[vector<16xi32>], vector<16xf32>,
      %gather3A_419 = tpu.vector_load_idx %arg7[%get3A_399] : memref<1008xf32, #tpu.memory_space<vmem>>[vector<16xi32>], vector<16xf32>,
      %bitcast3A_420 = vector.bitcast %gather3A_419 : vector<16xf32> to vector<16xi32>
      %and3A_421 = arith.andi %bitcast3A_420, %broadcast_in_dim3A_264 : vector<16xi32>
      %bitcast3A_422 = vector.bitcast %and3A_421 : vector<16xi32> to vector<16xf32>
      %shift_left3A_423 = arith.constant 16 : i32
      %shift_left3A_424 = vector.broadcast %shift_left3A_423 : i32 to vector<16xi32>
      %shift_left3A_425 = arith.shli %bitcast3A_420, %shift_left3A_424 : vector<16xi32>
      %bitcast3A_426 = vector.bitcast %shift_left3A_425 : vector<16xi32> to vector<16xf32>
      %mul3A_427 = arith.mulf %bitcast3A_426, %gather3A_418 : vector<16xf32>
      %sub3A_428 = arith.subf %bitcast3A_422, %mul3A_427 : vector<16xf32>
      %mul3A_429 = arith.mulf %gather3A_418, %sub3A_428 : vector<16xf32>
      %swap3A_430 = arith.index_cast %add3A_396 : i32 to index
      %swap3A_431 = arith.constant 0 : index
      %swap3A_432 = tpu.vector_load %arg6[%swap3A_430, %swap3A_431] {strides = array<i32>} : memref<32x100xf32, #tpu.memory_space<vmem>>, vector<16xf32>,
      tpu.vector_store %arg6[%swap3A_430, %swap3A_431], %mul3A_429 {strides = array<i32>} : memref<32x100xf32, #tpu.memory_space<vmem>>, vector<16xf32>,
      %gather3A_433 = tpu.vector_load_idx %arg9[%get3A_402] : memref<1024xf32, #tpu.memory_space<vmem>>[vector<16xi32>], vector<16xf32>,
      %gather3A_434 = tpu.vector_load_idx %arg7[%get3A_402] : memref<1008xf32, #tpu.memory_space<vmem>>[vector<16xi32>], vector<16xf32>,
      %bitcast3A_435 = vector.bitcast %gather3A_434 : vector<16xf32> to vector<16xi32>
      %and3A_436 = arith.andi %bitcast3A_435, %broadcast_in_dim3A_264 : vector<16xi32>
      %bitcast3A_437 = vector.bitcast %and3A_436 : vector<16xi32> to vector<16xf32>
      %shift_left3A_438 = arith.constant 16 : i32
      %shift_left3A_439 = vector.broadcast %shift_left3A_438 : i32 to vector<16xi32>
      %shift_left3A_440 = arith.shli %bitcast3A_435, %shift_left3A_439 : vector<16xi32>
      %bitcast3A_441 = vector.bitcast %shift_left3A_440 : vector<16xi32> to vector<16xf32>
      %mul3A_442 = arith.mulf %bitcast3A_441, %gather3A_433 : vector<16xf32>
      %sub3A_443 = arith.subf %bitcast3A_437, %mul3A_442 : vector<16xf32>
      %mul3A_444 = arith.mulf %gather3A_433, %sub3A_443 : vector<16xf32>
      %swap3A_445 = arith.index_cast %add3A_396 : i32 to index
      %swap3A_446 = arith.constant 16 : index
      %swap3A_447 = tpu.vector_load %arg6[%swap3A_445, %swap3A_446] {strides = array<i32>} : memref<32x100xf32, #tpu.memory_space<vmem>>, vector<16xf32>,
      tpu.vector_store %arg6[%swap3A_445, %swap3A_446], %mul3A_444 {strides = array<i32>} : memref<32x100xf32, #tpu.memory_space<vmem>>, vector<16xf32>,
      %gather3A_448 = tpu.vector_load_idx %arg9[%get3A_405] : memref<1024xf32, #tpu.memory_space<vmem>>[vector<16xi32>], vector<16xf32>,
      %gather3A_449 = tpu.vector_load_idx %arg7[%get3A_405] : memref<1008xf32, #tpu.memory_space<vmem>>[vector<16xi32>], vector<16xf32>,
      %bitcast3A_450 = vector.bitcast %gather3A_449 : vector<16xf32> to vector<16xi32>
      %and3A_451 = arith.andi %bitcast3A_450, %broadcast_in_dim3A_264 : vector<16xi32>
      %bitcast3A_452 = vector.bitcast %and3A_451 : vector<16xi32> to vector<16xf32>
      %shift_left3A_453 = arith.constant 16 : i32
      %shift_left3A_454 = vector.broadcast %shift_left3A_453 : i32 to vector<16xi32>
      %shift_left3A_455 = arith.shli %bitcast3A_450, %shift_left3A_454 : vector<16xi32>
      %bitcast3A_456 = vector.bitcast %shift_left3A_455 : vector<16xi32> to vector<16xf32>
      %mul3A_457 = arith.mulf %bitcast3A_456, %gather3A_448 : vector<16xf32>
      %sub3A_458 = arith.subf %bitcast3A_452, %mul3A_457 : vector<16xf32>
      %mul3A_459 = arith.mulf %gather3A_448, %sub3A_458 : vector<16xf32>
      %swap3A_460 = arith.index_cast %add3A_396 : i32 to index
      %swap3A_461 = arith.constant 32 : index
      %swap3A_462 = tpu.vector_load %arg6[%swap3A_460, %swap3A_461] {strides = array<i32>} : memref<32x100xf32, #tpu.memory_space<vmem>>, vector<16xf32>,
      tpu.vector_store %arg6[%swap3A_460, %swap3A_461], %mul3A_459 {strides = array<i32>} : memref<32x100xf32, #tpu.memory_space<vmem>>, vector<16xf32>,
      %gather3A_463 = tpu.vector_load_idx %arg9[%get3A_408] : memref<1024xf32, #tpu.memory_space<vmem>>[vector<16xi32>], vector<16xf32>,
      %gather3A_464 = tpu.vector_load_idx %arg7[%get3A_408] : memref<1008xf32, #tpu.memory_space<vmem>>[vector<16xi32>], vector<16xf32>,
      %bitcast3A_465 = vector.bitcast %gather3A_464 : vector<16xf32> to vector<16xi32>
      %and3A_466 = arith.andi %bitcast3A_465, %broadcast_in_dim3A_264 : vector<16xi32>
      %bitcast3A_467 = vector.bitcast %and3A_466 : vector<16xi32> to vector<16xf32>
      %shift_left3A_468 = arith.constant 16 : i32
      %shift_left3A_469 = vector.broadcast %shift_left3A_468 : i32 to vector<16xi32>
      %shift_left3A_470 = arith.shli %bitcast3A_465, %shift_left3A_469 : vector<16xi32>
      %bitcast3A_471 = vector.bitcast %shift_left3A_470 : vector<16xi32> to vector<16xf32>
      %mul3A_472 = arith.mulf %bitcast3A_471, %gather3A_463 : vector<16xf32>
      %sub3A_473 = arith.subf %bitcast3A_467, %mul3A_472 : vector<16xf32>
      %mul3A_474 = arith.mulf %gather3A_463, %sub3A_473 : vector<16xf32>
      %swap3A_475 = arith.index_cast %add3A_396 : i32 to index
      %swap3A_476 = arith.constant 48 : index
      %swap3A_477 = tpu.vector_load %arg6[%swap3A_475, %swap3A_476] {strides = array<i32>} : memref<32x100xf32, #tpu.memory_space<vmem>>, vector<16xf32>,
      tpu.vector_store %arg6[%swap3A_475, %swap3A_476], %mul3A_474 {strides = array<i32>} : memref<32x100xf32, #tpu.memory_space<vmem>>, vector<16xf32>,
      %gather3A_478 = tpu.vector_load_idx %arg9[%get3A_411] : memref<1024xf32, #tpu.memory_space<vmem>>[vector<16xi32>], vector<16xf32>,
      %gather3A_479 = tpu.vector_load_idx %arg7[%get3A_411] : memref<1008xf32, #tpu.memory_space<vmem>>[vector<16xi32>], vector<16xf32>,
      %bitcast3A_480 = vector.bitcast %gather3A_479 : vector<16xf32> to vector<16xi32>
      %and3A_481 = arith.andi %bitcast3A_480, %broadcast_in_dim3A_264 : vector<16xi32>
      %bitcast3A_482 = vector.bitcast %and3A_481 : vector<16xi32> to vector<16xf32>
      %shift_left3A_483 = arith.constant 16 : i32
      %shift_left3A_484 = vector.broadcast %shift_left3A_483 : i32 to vector<16xi32>
      %shift_left3A_485 = arith.shli %bitcast3A_480, %shift_left3A_484 : vector<16xi32>
      %bitcast3A_486 = vector.bitcast %shift_left3A_485 : vector<16xi32> to vector<16xf32>
      %mul3A_487 = arith.mulf %bitcast3A_486, %gather3A_478 : vector<16xf32>
      %sub3A_488 = arith.subf %bitcast3A_482, %mul3A_487 : vector<16xf32>
      %mul3A_489 = arith.mulf %gather3A_478, %sub3A_488 : vector<16xf32>
      %swap3A_490 = arith.index_cast %add3A_396 : i32 to index
      %swap3A_491 = arith.constant 64 : index
      %swap3A_492 = tpu.vector_load %arg6[%swap3A_490, %swap3A_491] {strides = array<i32>} : memref<32x100xf32, #tpu.memory_space<vmem>>, vector<16xf32>,
      tpu.vector_store %arg6[%swap3A_490, %swap3A_491], %mul3A_489 {strides = array<i32>} : memref<32x100xf32, #tpu.memory_space<vmem>>, vector<16xf32>,
      %gather3A_493 = tpu.vector_load_idx %arg9[%get3A_414] : memref<1024xf32, #tpu.memory_space<vmem>>[vector<16xi32>], vector<16xf32>,
      %gather3A_494 = tpu.vector_load_idx %arg7[%get3A_414] : memref<1008xf32, #tpu.memory_space<vmem>>[vector<16xi32>], vector<16xf32>,
      %bitcast3A_495 = vector.bitcast %gather3A_494 : vector<16xf32> to vector<16xi32>
      %and3A_496 = arith.andi %bitcast3A_495, %broadcast_in_dim3A_264 : vector<16xi32>
      %bitcast3A_497 = vector.bitcast %and3A_496 : vector<16xi32> to vector<16xf32>
      %shift_left3A_498 = arith.constant 16 : i32
      %shift_left3A_499 = vector.broadcast %shift_left3A_498 : i32 to vector<16xi32>
      %shift_left3A_500 = arith.shli %bitcast3A_495, %shift_left3A_499 : vector<16xi32>
      %bitcast3A_501 = vector.bitcast %shift_left3A_500 : vector<16xi32> to vector<16xf32>
      %mul3A_502 = arith.mulf %bitcast3A_501, %gather3A_493 : vector<16xf32>
      %sub3A_503 = arith.subf %bitcast3A_497, %mul3A_502 : vector<16xf32>
      %mul3A_504 = arith.mulf %gather3A_493, %sub3A_503 : vector<16xf32>
      %swap3A_505 = arith.index_cast %add3A_396 : i32 to index
      %swap3A_506 = arith.constant 80 : index
      %swap3A_507 = tpu.vector_load %arg6[%swap3A_505, %swap3A_506] {strides = array<i32>} : memref<32x100xf32, #tpu.memory_space<vmem>>, vector<16xf32>,
      tpu.vector_store %arg6[%swap3A_505, %swap3A_506], %mul3A_504 {strides = array<i32>} : memref<32x100xf32, #tpu.memory_space<vmem>>, vector<16xf32>,
      %gather3A_508 = tpu.vector_load_idx %arg9[%get3A_417] : memref<1024xf32, #tpu.memory_space<vmem>>[vector<16xi32>], vector<16xf32>,
      %gather3A_509 = tpu.vector_load_idx %arg7[%get3A_417] : memref<1008xf32, #tpu.memory_space<vmem>>[vector<16xi32>], vector<16xf32>,
      %bitcast3A_510 = vector.bitcast %gather3A_509 : vector<16xf32> to vector<16xi32>
      %and3A_511 = arith.andi %bitcast3A_510, %broadcast_in_dim3A_264 : vector<16xi32>
      %bitcast3A_512 = vector.bitcast %and3A_511 : vector<16xi32> to vector<16xf32>
      %shift_left3A_513 = arith.constant 16 : i32
      %shift_left3A_514 = vector.broadcast %shift_left3A_513 : i32 to vector<16xi32>
      %shift_left3A_515 = arith.shli %bitcast3A_510, %shift_left3A_514 : vector<16xi32>
      %bitcast3A_516 = vector.bitcast %shift_left3A_515 : vector<16xi32> to vector<16xf32>
      %mul3A_517 = arith.mulf %bitcast3A_516, %gather3A_508 : vector<16xf32>
      %sub3A_518 = arith.subf %bitcast3A_512, %mul3A_517 : vector<16xf32>
      %mul3A_519 = arith.mulf %gather3A_508, %sub3A_518 : vector<16xf32>
      %swap3A_520 = arith.index_cast %add3A_396 : i32 to index
      %swap3A_521 = arith.constant 84 : index
      %swap3A_522 = tpu.vector_load %arg6[%swap3A_520, %swap3A_521] {strides = array<i32>} : memref<32x100xf32, #tpu.memory_space<vmem>>, vector<16xf32>,
      tpu.vector_store %arg6[%swap3A_520, %swap3A_521], %mul3A_519 {strides = array<i32>} : memref<32x100xf32, #tpu.memory_space<vmem>>, vector<16xf32>,
      tpu.vector_store_idx %arg9[%get3A_399], %broadcast_in_dim3A_3 : memref<1024xf32, #tpu.memory_space<vmem>>[vector<16xi32>], vector<16xf32>,
      tpu.vector_store_idx %arg9[%get3A_402], %broadcast_in_dim3A_3 : memref<1024xf32, #tpu.memory_space<vmem>>[vector<16xi32>], vector<16xf32>,
      tpu.vector_store_idx %arg9[%get3A_405], %broadcast_in_dim3A_3 : memref<1024xf32, #tpu.memory_space<vmem>>[vector<16xi32>], vector<16xf32>,
      tpu.vector_store_idx %arg9[%get3A_408], %broadcast_in_dim3A_3 : memref<1024xf32, #tpu.memory_space<vmem>>[vector<16xi32>], vector<16xf32>,
      tpu.vector_store_idx %arg9[%get3A_411], %broadcast_in_dim3A_3 : memref<1024xf32, #tpu.memory_space<vmem>>[vector<16xi32>], vector<16xf32>,
      tpu.vector_store_idx %arg9[%get3A_414], %broadcast_in_dim3A_3 : memref<1024xf32, #tpu.memory_space<vmem>>[vector<16xi32>], vector<16xf32>,
      tpu.vector_store_idx %arg9[%get3A_417], %broadcast_in_dim3A_3 masked %ge3A_262 : memref<1024xf32, #tpu.memory_space<vmem>>[vector<16xi32>], vector<16xf32>, vector<16xi1>
    }
    %scan3A_269 = arith.constant 16 : i32
    "tpu.region"() ({
      %run_scoped3A = tpu.sem_alloc : memref<!tpu.dma_semaphore, #tpu.memory_space<semaphore_mem>>
      %dma_start3A = arith.constant 0 : i32
      %dma_start3A_270 = tpu.memref_slice %arg4[%mul3A_2, %dma_start3A] : memref<1024x100xf32, #tpu.memory_space<hbm>> -> memref<32x100xf32, #tpu.memory_space<hbm>>
      %dma_start3A_271 = arith.constant 0 : i32
      %dma_start3A_272 = tpu.memref_slice %arg4[%mul3A_2, %dma_start3A_271] : memref<1024x100xf32, #tpu.memory_space<hbm>> -> memref<32x100xf32, #tpu.memory_space<hbm>>
      tpu.enqueue_dma source(%arg6 : memref<32x100xf32, #tpu.memory_space<vmem>>) target(%dma_start3A_272 : memref<32x100xf32, #tpu.memory_space<hbm>>) target_semaphore(%run_scoped3A : memref<!tpu.dma_semaphore, #tpu.memory_space<semaphore_mem>>)
      %dma_wait3A = arith.constant 0 : i32
      %dma_wait3A_273 = tpu.memref_slice %arg4[%mul3A_2, %dma_wait3A] : memref<1024x100xf32, #tpu.memory_space<hbm>> -> memref<32x100xf32, #tpu.memory_space<hbm>>
      %dma_wait3A_274 = arith.constant 0 : i32
      %dma_wait3A_275 = tpu.memref_slice %arg4[%mul3A_2, %dma_wait3A_274] : memref<1024x100xf32, #tpu.memory_space<hbm>> -> memref<32x100xf32, #tpu.memory_space<hbm>>
      tpu.wait_dma2 semaphore(%run_scoped3A : memref<!tpu.dma_semaphore, #tpu.memory_space<semaphore_mem>>) src(%arg6 : memref<32x100xf32, #tpu.memory_space<vmem>>) dst(%dma_wait3A_275 : memref<32x100xf32, #tpu.memory_space<hbm>>)
      tpu.yield
    }) : () -> ()
    return
  }
}

</mosaic_0001>

<sc_bundles>
// kernel: kernel.3.cloned.1.call-start
scs
__scs_entry_jumppad:
0x0: {  	(pc) =	sbr.rel $0x88, $3  }
0x1: {  	(tag) =	ssettag $0x0;
	lr =	simm.s32 $0x1  }
0x2: {  	[smem:$0x3F9D] =	sst lr;
	_ =	strace $0xD0000000  }
0x3: {  	_ = 	snop  }
0x4: {  	_ = 	snop  }
0x5: {  	_ = 	snop  }
0x6: {  	_ = 	snop  }
0x7: {  	_ = 	snop  }
__scs_overlays_trampoline_lowered:
0x8: {  	[smem:$0x3FAC] =	sst s0  }
0x9: {  	[smem:$0x3FAD] =	sst s1  }
0xa: {  	[smem:$0x3FAE] =	sst s2  }
0xb: {  	[smem:$0x3FAF] =	sst s3  }
0xc: {  	[smem:$0x3FB0] =	sst s4  }
0xd: {  	[smem:$0x3FB1] =	sst s5  }
0xe: {  	[smem:$0x3FB2] =	sst s6  }
0xf: {  	[smem:$0x3FB3] =	sst s7  }
0x10: {  	[smem:$0x3FB4] =	sst s8  }
0x11: {  	[smem:$0x3FB5] =	sst s9;
	s0 =	simm.s32 @!p0 $0x0  }
0x12: {  	s1 =	sld [smem:$0x3F9B];
	s0 =	simm.s32 @p0 $0x1  }
0x13: {  	[smem:$0x3FB6] =	sst s0;
	s0 =	simm.s32 @!p1 $0x0  }
0x14: {  	s2 =	sld [smem:$0x3F9A];
	s0 =	simm.s32 @p1 $0x1  }
0x15: {  	[smem:$0x3FB7] =	sst s0;
	s0 =	simm.s32 @!p2 $0x0  }
0x16: {  	s3 =	sld [smem:$0x3FDB];
	s0 =	simm.s32 @p2 $0x1  }
0x17: {  	s4 =	simm.s32 $0x1BF5;
	[smem:$0x3FB9] =	sst s0  }
0x18: {  	s0 =	sld [smem:$0x3F9C];
	_ =	swait.ge [sflag:s4], $0x0  }
0x19: {  	s7 =	sld [smem:$0x3F9D]  }
0x1a: {  	s8 =	sadd.s32 $0xFFFFE003, lr  }
0x1b: {  	s9 =	sadd.s32 $0xFFFFFEF7, lr;
	s5 =	simm.s32 $0xFFFFFFFF;
	p2 =	slt.u32 s8, $0xFFFFF086  }
0x1c: {  	p1 =	slt.u32 s9, $0xF7A;
	s5 =	simm.s32 @!p2 $0x0  }
0x1d: {  	s5 =	simm.s32 @p1 $0x1;
	p0 =	seq.s32 s7, s2  }
0x1e: {  	s7 =	smul.u32 @!p0 $0xF7A, s2;
	p2 =	seq.s32 @!p0 s5, $0x0  }
0x1f: {  	s9 =	smul.u32 $0xF7A, s1;
	s8 =	simm.s32 @!p0 $0x1BF5;
	p2 =	por !p2, p0  }
0x20: {  	[sflag:s8] =	ssyncset.s32 @!p0 $0xFFFFF086;
	s6 =	sadd.s32 @!p0 s3, s7;
	s7 =	simm.s32 @!p0 $0x108  }
0x21: {  	s3 =	sadd.s32 s3, s9;
	s6 =	sadd.s32 @!p0 $0x88, s6;
	s7 =	simm.s32 @p2 $0x1082  }
0x22: {  	[simem:s7], [sflag:s8] =	dma.local @!p0 [hbm:s6], $0xF7A  }
0x23: {  	s9 =	sor.u32 $0xD0000000, s2;
	s6 =	simm.s32 $0x108;
	_ =	swait.ge @!p0 [sflag:s8], $0x0  }
0x24: {  	s3 =	sadd.s32 $0x88, s3;
	s6 =	simm.s32 @!p1 $0x1082;
	[sflag:s4] =	ssyncset.s32 $0xFFFFF086  }
0x25: {  	[simem:s6], [sflag:s4] =	dma.local [hbm:s3], $0xF7A  }
0x26: {  	[smem:$0x3F9D] =	sst s1;
	(tag) =	ssettag s2;
	_ =	strace s9  }
0x27: {  	s1 =	sld [smem:$0x3FAD]  }
0x28: {  	s2 =	sld [smem:$0x3FAE]  }
0x29: {  	s4 =	sld [smem:$0x3FB0]  }
0x2a: {  	p0 =	seq.s32 s5, $0x0;
	s5 =	sld [smem:$0x3FB1]  }
0x2b: {  	s6 =	sld [smem:$0x3FB2]  }
0x2c: {  	s7 =	sld [smem:$0x3FB3]  }
0x2d: {  	s3 =	simm.s32 $0x108;
	s8 =	sld [smem:$0x3FB4]  }
0x2e: {  	s3 =	simm.s32 @!p0 $0x1082;
	s9 =	sld [smem:$0x3FB5]  }
0x2f: {  	lr =	sadd.s32 s0, s3;
	s0 =	sld [smem:$0x3FAC]  }
0x30: {  	s3 =	sld [smem:$0x3FAF]  }
0x31: {  	[smem:$0x3FB8] =	sst s10  }
0x32: {  	s10 =	sld [smem:$0x3FB6];
	_ =	sdelay $0x3  }
0x33: {  	p0 =	seq.s32 s10, $0x1;
	s10 =	sld [smem:$0x3FB8];
	_ =	sdelay $0x3  }
0x34: {  	[smem:$0x3FB8] =	sst s10  }
0x35: {  	s10 =	sld [smem:$0x3FB7];
	_ =	sdelay $0x3  }
0x36: {  	p1 =	seq.s32 s10, $0x1;
	s10 =	sld [smem:$0x3FB8];
	_ =	sdelay $0x3  }
0x37: {  	[smem:$0x3FB8] =	sst s10  }
0x38: {  	s10 =	sld [smem:$0x3FB9]  }
0x39: {  	_ = 	snop;
	(pc) =	sbr.ind lr, $3  }
0x3a: {  	_ = 	snop  }
0x3b: {  	_ = 	snop  }
0x3c: {  	p2 =	seq.s32 s10, $0x1;
	s10 =	sld [smem:$0x3FB8]  }
0x3d: {  	_ =	shalt  }
0x3e: {  	_ =	shalt  }
0x3f: {  	_ =	shalt  }
0x40: {  	_ =	shalt  }
0x41: {  	_ =	shalt  }
0x42: {  	_ =	shalt  }
0x43: {  	_ =	shalt  }
0x44: {  	_ =	shalt  }
0x45: {  	_ =	shalt  }
0x46: {  	_ =	shalt  }
0x47: {  	_ =	shalt  }
0x48: {  	_ =	shalt  }
0x49: {  	_ =	shalt  }
0x4a: {  	_ =	shalt  }
0x4b: {  	_ =	shalt  }
0x4c: {  	_ =	shalt  }
0x4d: {  	_ =	shalt  }
0x4e: {  	_ =	shalt  }
0x4f: {  	_ =	shalt  }
0x50: {  	_ =	shalt  }
0x51: {  	_ =	shalt  }
0x52: {  	_ =	shalt  }
0x53: {  	_ =	shalt  }
0x54: {  	_ =	shalt  }
0x55: {  	_ =	shalt  }
0x56: {  	_ =	shalt  }
0x57: {  	_ =	shalt  }
0x58: {  	_ =	shalt  }
0x59: {  	_ =	shalt  }
0x5a: {  	_ =	shalt  }
0x5b: {  	_ =	shalt  }
0x5c: {  	_ =	shalt  }
0x5d: {  	_ =	shalt  }
0x5e: {  	_ =	shalt  }
0x5f: {  	_ =	shalt  }
0x60: {  	_ =	shalt  }
0x61: {  	_ =	shalt  }
0x62: {  	_ =	shalt  }
0x63: {  	_ =	shalt  }
0x64: {  	_ =	shalt  }
0x65: {  	_ =	shalt  }
0x66: {  	_ =	shalt  }
0x67: {  	_ =	shalt  }
0x68: {  	_ =	shalt  }
0x69: {  	_ =	shalt  }
0x6a: {  	_ =	shalt  }
0x6b: {  	_ =	shalt  }
0x6c: {  	_ =	shalt  }
0x6d: {  	_ =	shalt  }
0x6e: {  	_ =	shalt  }
0x6f: {  	_ =	shalt  }
0x70: {  	_ =	shalt  }
0x71: {  	_ =	shalt  }
0x72: {  	_ =	shalt  }
0x73: {  	_ =	shalt  }
0x74: {  	_ =	shalt  }
0x75: {  	_ =	shalt  }
0x76: {  	_ =	shalt  }
0x77: {  	_ =	shalt  }
0x78: {  	_ =	shalt  }
0x79: {  	_ =	shalt  }
0x7a: {  	_ =	shalt  }
0x7b: {  	_ =	shalt  }
0x7c: {  	_ =	shalt  }
0x7d: {  	_ =	shalt  }
0x7e: {  	_ =	shalt  }
0x7f: {  	_ =	shalt  }
0x80: {  	_ =	shalt  }
0x81: {  	_ =	shalt  }
0x82: {  	_ =	shalt  }
0x83: {  	_ =	shalt  }
0x84: {  	_ =	shalt  }
0x85: {  	_ =	shalt  }
0x86: {  	_ =	shalt  }
0x87: {  	_ =	shalt  }
.Lfunc_end0:
.L_simem_size_0:
called_computation_lowered:
.L_overlay_start_0:
0x88: {  	s2 =	sld [smem:$0x3FD9]  }
0x89: {  	s3 =	sld [smem:$0x3FFE];
	_ =	sdelay $0x1  }
0x8a: {  	s1 =	srdreg.scid  }
0x8b: {  	s0 =	sand.u32 $0x1, s1  }
0x8c: {  	s17 =	sshll.u32 s0, $0xA;
	s2 =	sadd.s32 s3, s2  }
0x8d: {  	s2 =	sadd.s32 s2, s17  }
0x8e: {  	[smem:$0x3FC4] =	sst s2  }
0x8f: {  	_ = 	snop  }
0x90: {  	s2 =	sld [smem:$0x3FD0];
	(tm) =	ssettm $0x1  }
0x91: {  	s18 =	sld [smem:$0x3FFB];
	_ =	sdelay $0x3  }
0x92: {  	_ =	strace s18  }
0x93: {  	s3 =	sld [smem:$0x3FFC];
	_ =	sdelay $0x3  }
0x94: {  	_ =	strace s3  }
0x95: {  	s3 =	sld [smem:$0x3FFD];
	_ =	sdelay $0x3  }
0x96: {  	_ =	strace s3  }
0x97: {  	_ =	strace $0x8FFFFFFF  }
0x98: {  	s19 =	sld [smem:$0x3FDB];
	_ =	sdelay $0x1  }
0x99: {  	s4 =	simm.s32 $_scs_section_size  }
0x9a: {  	s5 =	simm.s32 $_size__tile_overlayer_lowered;
	s6 =	simm.s32 $_tile_overlayer_lowered  }
0x9b: {  	s22 =	simm.s32 $0x1BFF;
	s21 =	sshll.u32 s6, $0x1;
	s3 =	sadd.s32 s4, s19  }
0x9c: {  	s7 =	simm.s32 $0x0;
	s20 =	sshll.u32 s5, $0x1;
	s5 =	sadd.s32 s21, s3  }
0x9d: {  	[timem:s7], [sflag:s22] =	dma.local [hbm:s5], s20  }
0x9e: {  	_ =	swait.ge [sflag:s22], s20  }
0x9f: {  	s4 =	ssub.s32 $0x0, s20;
	[sflag:s22] =	ssyncset.done $0x0  }
0xa0: {  	[sflag:s22] =	ssyncadd.s32 s4;
	_ =	sdelay $0x1  }
0xa1: {  	s23 =	simm.s32 $0x1B8B  }
0xa2: {  	_ =	swait.ge [sflag:s23], $0x1  }
0xa3: {  	[sflag:s23] =	ssyncset.done $0x0  }
0xa4: {  	s25 =	simm.s32 $0x1B8E;
	s24 =	sld [smem:$0x3FFE];
	[sflag:s23] =	ssyncadd.s32 $0xFFFFFFFF  }
0xa5: {  	s26 =	simm.s32 $execute0_lowered;
	[smem:$0x3FD2] =	sst s25  }
0xa6: {  	s5 =	sshll.u32 s26, $0x1;
	_ =	strace $0x80000046;
	[dreg:$0x1] =	wrdreg $0xFFFFFFFF  }
0xa7: {  	s28 =	simm.s32 $_size_execute0_lowered;
	s3 =	sadd.s32 s3, s5;
	[dreg:$0x0] =	wrdreg $0x0  }
0xa8: {  	s5 =	sshll.u32 s28, $0x1;
	[dreg:$0x2] =	wrdreg s3  }
0xa9: {  	[dreg:$0x3] =	wrdreg s5  }
0xaa: {  	[dreg:$0x4] =	wrdreg $0xC0  }
0xab: {  	_ =	task [dreg:s7], $0x5FFFF  }
0xac: {  	[dreg:$0x1] =	wrdreg $0xFFFFFFFF  }
0xad: {  	[dreg:$0x0] =	wrdreg $0x60  }
0xae: {  	[dreg:$0x2] =	wrdreg s24  }
0xaf: {  	[dreg:$0x3] =	wrdreg s2  }
0xb0: {  	[dreg:$0x4] =	wrdreg $0x9  }
0xb1: {  	_ =	task.clear_ibuf [dreg:s7], $0x5FFFF;
	_ =	strace $0x90000046  }
0xb2: {  	s29 =	simm.s32 $0x9;
	_ =	strace $0x80000048  }
0xb3: {  	_ =	swait.ge [sflag:s29], $0x1  }
0xb4: {  	[sflag:s29] =	ssyncadd.s32 $0xFFFFFFFF  }
0xb5: {  	_ =	strace $0x90000048  }
0xb6: {  	_ =	sfence  }
0xb7: {  	s30 =	sld [smem:$0x0];
	_ =	sdelay $0x2  }
0xb8: {  	s31 =	sshll.u32 s1, $0xD;
	s1 =	sshrl.u32 s1, $0x2  }
0xb9: {  	s3 =	sand.u32 $0x4000, s31;
	s1 =	sadd.s32 s1, s30  }
0xba: {  	s0 =	sor.u32 s3, s0;
	s1 =	sshll.u32 s1, $0x11  }
0xbb: {  	s0 =	sor.u32 s1, s0  }
0xbc: {  	s0 =	sadd.s32 $0x8F2B, s0  }
0xbd: {  	[sflag:s0] =	ssyncadd.remote.s32 $0x1  }
0xbe: {  	_ =	sfence.sel $0xFFFF  }
0xbf: {  	[dreg:$0x0] =	wrdreg $0xFFFFFFFF;
	(pc) =	sbr.abs _section_cstart, $3  }
0xc0: {  	[dreg:$0x1] =	wrdreg $0xFFFFFFFF  }
0xc1: {  	_ =	task.clear_ibuf [dreg:s7], $0x2FFFF;
	_ =	strace $0x9FFFFFFF  }
0xc2: {  	(tm) =	ssettm $0x7FFFFFFF  }
0xc3: {  	_ =	shalt  }
tec
execute0_lowered:
.L_overlay_start_1:
0x0: {  	(tag) =	ssettag $0x1  }
0x1: {  	s4 =	rddreg [dreg:$0x0]  }
0x2: {  	s2 =	rddreg [dreg:$0x1]  }
0x3: {  	s0 =	rddreg [dreg:$0x2];
	s5 =	srdreg.scid  }
0x4: {  	s3 =	simm.s32 $0x0;
	s1 =	stileid.u32;
	s8 =	simm.s32 $0x2000  }
0x5: {  	s9 =	simm.s32 $0x2400;
	s10 =	simm.s32 $0x2800;
	s5 =	sand.u32 $0x1, s5  }
0x6: {  	vm0 =	vcmask $0x3F30;
	s11 =	simm.s32 $0x1000;
	s6 =	sshll.u32 s1, $0xA;
	s7 =	sshll.u32 s5, $0x9  }
0x7: {  	s12 =	simm.s32 $0x0;
	s5 =	ssub.s32 $0x2, s5;
	s6 =	sor.u32 s7, s6  }
0x8: {  	[smem:$0x7FF] =	sst s3;
	s31 =	sshrl.u32 s5, $0x1;
	s6 =	sadd.s32 s6, s4  }
0x9: {  	_ =	strace $0x80000047;
	s7 =	ssub.s32 s5, s31;
	s4 =	sadd.s32 $0xA00, s6  }
0xa: {  	v0 =	vimm.f32 $0.0e+00;
	v1 =	vimm.f32 $1.000000000e+00;
	s5 =	sadd.s32 $0x4A00, s6;
	s6 =	smax.u32 s7, $0x1;
	s7 =	simm.s32 $0x1  }
.LBB2_1:
0xb: {  	[tilespmem:s3], [sflag:$0x1] =	stream.linear.gather [hbm4b:s4+s3], $0x1000, $0x38;
	[tilespmem:$0x2C00] =	vst v63  }
0xc: {  	_ =	swait.ge [sflag:s7], $0x1000  }
0xd: {  	[sflag:s7] =	ssyncset.done $0x0  }
0xe: {  	[sflag:s7] =	ssyncadd.s32 $0xFFFFF000  }
0xf: {  	[tilespmem:s8], [sflag:$0x1] =	stream.linear.gather [hbm4b:s2+s3], $0x3E8, $0x38;
	[tilespmem:$0x2C00] =	vst v63  }
0x10: {  	_ =	swait.ge [sflag:s7], $0x3E8  }
0x11: {  	[sflag:s7] =	ssyncset.done $0x0  }
0x12: {  	[sflag:s7] =	ssyncadd.s32 $0xFFFFFC18  }
0x13: {  	[tilespmem:$0x2400] =	vst v0  }
0x14: {  	[tilespmem:$0x2800] =	vst v0  }
0x15: {  	[tilespmem:$0x2410] =	vst v0  }
0x16: {  	[tilespmem:$0x2810] =	vst v0  }
0x17: {  	[tilespmem:$0x2420] =	vst v0  }
0x18: {  	[tilespmem:$0x2820] =	vst v0  }
0x19: {  	[tilespmem:$0x2430] =	vst v0  }
0x1a: {  	[tilespmem:$0x2830] =	vst v0  }
0x1b: {  	[tilespmem:$0x2440] =	vst v0  }
0x1c: {  	[tilespmem:$0x2840] =	vst v0  }
0x1d: {  	[tilespmem:$0x2450] =	vst v0  }
0x1e: {  	[tilespmem:$0x2850] =	vst v0  }
0x1f: {  	[tilespmem:$0x2460] =	vst v0  }
0x20: {  	[tilespmem:$0x2860] =	vst v0  }
0x21: {  	[tilespmem:$0x2470] =	vst v0  }
0x22: {  	[tilespmem:$0x2870] =	vst v0  }
0x23: {  	[tilespmem:$0x2480] =	vst v0  }
0x24: {  	[tilespmem:$0x2880] =	vst v0  }
0x25: {  	[tilespmem:$0x2490] =	vst v0  }
0x26: {  	[tilespmem:$0x2890] =	vst v0  }
0x27: {  	[tilespmem:$0x24A0] =	vst v0  }
0x28: {  	[tilespmem:$0x28A0] =	vst v0  }
0x29: {  	[tilespmem:$0x24B0] =	vst v0  }
0x2a: {  	[tilespmem:$0x28B0] =	vst v0  }
0x2b: {  	[tilespmem:$0x24C0] =	vst v0  }
0x2c: {  	[tilespmem:$0x28C0] =	vst v0  }
0x2d: {  	[tilespmem:$0x24D0] =	vst v0  }
0x2e: {  	[tilespmem:$0x28D0] =	vst v0  }
0x2f: {  	[tilespmem:$0x24E0] =	vst v0  }
0x30: {  	[tilespmem:$0x28E0] =	vst v0  }
0x31: {  	[tilespmem:$0x24F0] =	vst v0  }
0x32: {  	[tilespmem:$0x28F0] =	vst v0  }
0x33: {  	[tilespmem:$0x2500] =	vst v0  }
0x34: {  	[tilespmem:$0x2900] =	vst v0  }
0x35: {  	[tilespmem:$0x2510] =	vst v0  }
0x36: {  	[tilespmem:$0x2910] =	vst v0  }
0x37: {  	[tilespmem:$0x2520] =	vst v0  }
0x38: {  	[tilespmem:$0x2920] =	vst v0  }
0x39: {  	[tilespmem:$0x2530] =	vst v0  }
0x3a: {  	[tilespmem:$0x2930] =	vst v0  }
0x3b: {  	[tilespmem:$0x2540] =	vst v0  }
0x3c: {  	[tilespmem:$0x2940] =	vst v0  }
0x3d: {  	[tilespmem:$0x2550] =	vst v0  }
0x3e: {  	[tilespmem:$0x2950] =	vst v0  }
0x3f: {  	[tilespmem:$0x2560] =	vst v0  }
0x40: {  	[tilespmem:$0x2960] =	vst v0  }
0x41: {  	[tilespmem:$0x2570] =	vst v0  }
0x42: {  	[tilespmem:$0x2970] =	vst v0  }
0x43: {  	[tilespmem:$0x2580] =	vst v0  }
0x44: {  	[tilespmem:$0x2980] =	vst v0  }
0x45: {  	[tilespmem:$0x2590] =	vst v0  }
0x46: {  	[tilespmem:$0x2990] =	vst v0  }
0x47: {  	[tilespmem:$0x25A0] =	vst v0  }
0x48: {  	[tilespmem:$0x29A0] =	vst v0  }
0x49: {  	[tilespmem:$0x25B0] =	vst v0  }
0x4a: {  	[tilespmem:$0x29B0] =	vst v0  }
0x4b: {  	[tilespmem:$0x25C0] =	vst v0  }
0x4c: {  	[tilespmem:$0x29C0] =	vst v0  }
0x4d: {  	[tilespmem:$0x25D0] =	vst v0  }
0x4e: {  	[tilespmem:$0x29D0] =	vst v0  }
0x4f: {  	[tilespmem:$0x25E0] =	vst v0  }
0x50: {  	[tilespmem:$0x29E0] =	vst v0  }
0x51: {  	[tilespmem:$0x25F0] =	vst v0  }
0x52: {  	[tilespmem:$0x29F0] =	vst v0  }
0x53: {  	[tilespmem:$0x2600] =	vst v0  }
0x54: {  	[tilespmem:$0x2A00] =	vst v0  }
0x55: {  	[tilespmem:$0x2610] =	vst v0  }
0x56: {  	[tilespmem:$0x2A10] =	vst v0  }
0x57: {  	[tilespmem:$0x2620] =	vst v0  }
0x58: {  	[tilespmem:$0x2A20] =	vst v0  }
0x59: {  	[tilespmem:$0x2630] =	vst v0  }
0x5a: {  	[tilespmem:$0x2A30] =	vst v0  }
0x5b: {  	[tilespmem:$0x2640] =	vst v0  }
0x5c: {  	[tilespmem:$0x2A40] =	vst v0  }
0x5d: {  	[tilespmem:$0x2650] =	vst v0  }
0x5e: {  	[tilespmem:$0x2A50] =	vst v0  }
0x5f: {  	[tilespmem:$0x2660] =	vst v0  }
0x60: {  	[tilespmem:$0x2A60] =	vst v0  }
0x61: {  	[tilespmem:$0x2670] =	vst v0  }
0x62: {  	[tilespmem:$0x2A70] =	vst v0  }
0x63: {  	[tilespmem:$0x2680] =	vst v0  }
0x64: {  	[tilespmem:$0x2A80] =	vst v0  }
0x65: {  	[tilespmem:$0x2690] =	vst v0  }
0x66: {  	[tilespmem:$0x2A90] =	vst v0  }
0x67: {  	[tilespmem:$0x26A0] =	vst v0  }
0x68: {  	[tilespmem:$0x2AA0] =	vst v0  }
0x69: {  	[tilespmem:$0x26B0] =	vst v0  }
0x6a: {  	[tilespmem:$0x2AB0] =	vst v0  }
0x6b: {  	[tilespmem:$0x26C0] =	vst v0  }
0x6c: {  	[tilespmem:$0x2AC0] =	vst v0  }
0x6d: {  	[tilespmem:$0x26D0] =	vst v0  }
0x6e: {  	[tilespmem:$0x2AD0] =	vst v0  }
0x6f: {  	[tilespmem:$0x26E0] =	vst v0  }
0x70: {  	[tilespmem:$0x2AE0] =	vst v0  }
0x71: {  	[tilespmem:$0x26F0] =	vst v0  }
0x72: {  	[tilespmem:$0x2AF0] =	vst v0  }
0x73: {  	[tilespmem:$0x2700] =	vst v0  }
0x74: {  	[tilespmem:$0x2B00] =	vst v0  }
0x75: {  	[tilespmem:$0x2710] =	vst v0  }
0x76: {  	[tilespmem:$0x2B10] =	vst v0  }
0x77: {  	[tilespmem:$0x2720] =	vst v0  }
0x78: {  	[tilespmem:$0x2B20] =	vst v0  }
0x79: {  	[tilespmem:$0x2730] =	vst v0  }
0x7a: {  	[tilespmem:$0x2B30] =	vst v0  }
0x7b: {  	[tilespmem:$0x2740] =	vst v0  }
0x7c: {  	[tilespmem:$0x2B40] =	vst v0  }
0x7d: {  	[tilespmem:$0x2750] =	vst v0  }
0x7e: {  	[tilespmem:$0x2B50] =	vst v0  }
0x7f: {  	[tilespmem:$0x2760] =	vst v0  }
0x80: {  	[tilespmem:$0x2B60] =	vst v0  }
0x81: {  	[tilespmem:$0x2770] =	vst v0  }
0x82: {  	[tilespmem:$0x2B70] =	vst v0  }
0x83: {  	[tilespmem:$0x2780] =	vst v0  }
0x84: {  	[tilespmem:$0x2B80] =	vst v0  }
0x85: {  	[tilespmem:$0x2790] =	vst v0  }
0x86: {  	[tilespmem:$0x2B90] =	vst v0  }
0x87: {  	[tilespmem:$0x27A0] =	vst v0  }
0x88: {  	[tilespmem:$0x2BA0] =	vst v0  }
0x89: {  	[tilespmem:$0x27B0] =	vst v0  }
0x8a: {  	[tilespmem:$0x2BB0] =	vst v0  }
0x8b: {  	[tilespmem:$0x27C0] =	vst v0  }
0x8c: {  	[tilespmem:$0x2BC0] =	vst v0  }
0x8d: {  	[tilespmem:$0x27D0] =	vst v0  }
0x8e: {  	[tilespmem:$0x2BD0] =	vst v0  }
0x8f: {  	[tilespmem:$0x27E0] =	vst v0  }
0x90: {  	[tilespmem:$0x2BE0] =	vst v0  }
0x91: {  	[tilespmem:$0x27F0] =	vst v0  }
0x92: {  	s13 =	simm.s32 $0x0;
	[tilespmem:$0x2BF0] =	vst v0  }
0x93: {  	v2 =	vld [tilespmem:s13+$0x0]  }
0x94: {  	v3 =	vld [tilespmem:s13+$0x10]  }
0x95: {  	v4 =	vld [tilespmem:s13+$0x20]  }
0x96: {  	v5 =	vld [tilespmem:s13+$0x30]  }
0x97: {  	v6 =	vld [tilespmem:s13+$0x40]  }
0x98: {  	v7 =	vld [tilespmem:s13+$0x50]  }
0x99: {  	v8 =	vld [tilespmem:s13+$0x54];
	_ =	sdelay $0x1  }
0x9a: {  	[tilespmem:v2+s9+$0x0] =	vst.idx.add.f32.msk $0xffff, v1  }
0x9b: {  	[tilespmem:v3+s9+$0x0] =	vst.idx.add.f32.msk $0xffff, v1  }
0x9c: {  	[tilespmem:v4+s9+$0x0] =	vst.idx.add.f32.msk $0xffff, v1  }
0x9d: {  	[tilespmem:v5+s9+$0x0] =	vst.idx.add.f32.msk $0xffff, v1  }
0x9e: {  	[tilespmem:v6+s9+$0x0] =	vst.idx.add.f32.msk $0xffff, v1  }
0x9f: {  	[tilespmem:v7+s9+$0x0] =	vst.idx.add.f32.msk $0xffff, v1  }
0xa0: {  	[tilespmem:v8+s9+$0x0] =	vst.idx.add.f32.msk vm0, v1  }
0xa1: {  	v9 =	vld.idx.msk [tilespmem:v2+s8+$0x0], $0xffff  }
0xa2: {  	v10 =	vld.idx.msk [tilespmem:v2+s9+$0x0], $0xffff;
	_ =	sdelay $0x3  }
0xa3: {  	v11 =	vshll.u32 v9, $0x10  }
0xa4: {  	v11 =	vmul.f32 v11, v10  }
0xa5: {  	v9 =	vand.u32 $0xFFFF0000, v9  }
0xa6: {  	v9 =	vsub.f32 v9, v11;
	_ =	sdelay $0x1  }
0xa7: {  	v9 =	vmul.f32 v9, v10;
	_ =	sdelay $0x1  }
0xa8: {  	[tilespmem:s13+$0x1000] =	vst v9  }
0xa9: {  	v9 =	vld.idx.msk [tilespmem:v3+s8+$0x0], $0xffff  }
0xaa: {  	v38 =	vld.idx.msk [tilespmem:v3+s9+$0x0], $0xffff;
	_ =	sdelay $0x3  }
0xab: {  	v39 =	vshll.u32 v9, $0x10  }
0xac: {  	v11 =	vmul.f32 v39, v38  }
0xad: {  	v9 =	vand.u32 $0xFFFF0000, v9  }
0xae: {  	v9 =	vsub.f32 v9, v11;
	_ =	sdelay $0x1  }
0xaf: {  	v9 =	vmul.f32 v9, v38;
	_ =	sdelay $0x1  }
0xb0: {  	[tilespmem:s13+$0x1010] =	vst v9  }
0xb1: {  	v9 =	vld.idx.msk [tilespmem:v4+s8+$0x0], $0xffff  }
0xb2: {  	v40 =	vld.idx.msk [tilespmem:v4+s9+$0x0], $0xffff;
	_ =	sdelay $0x3  }
0xb3: {  	v41 =	vshll.u32 v9, $0x10  }
0xb4: {  	v11 =	vmul.f32 v41, v40  }
0xb5: {  	v9 =	vand.u32 $0xFFFF0000, v9  }
0xb6: {  	v9 =	vsub.f32 v9, v11;
	_ =	sdelay $0x1  }
0xb7: {  	v9 =	vmul.f32 v9, v40;
	_ =	sdelay $0x1  }
0xb8: {  	[tilespmem:s13+$0x1020] =	vst v9  }
0xb9: {  	v9 =	vld.idx.msk [tilespmem:v5+s8+$0x0], $0xffff  }
0xba: {  	v42 =	vld.idx.msk [tilespmem:v5+s9+$0x0], $0xffff;
	_ =	sdelay $0x3  }
0xbb: {  	v43 =	vshll.u32 v9, $0x10  }
0xbc: {  	v11 =	vmul.f32 v43, v42  }
0xbd: {  	v9 =	vand.u32 $0xFFFF0000, v9  }
0xbe: {  	v9 =	vsub.f32 v9, v11;
	_ =	sdelay $0x1  }
0xbf: {  	v9 =	vmul.f32 v9, v42;
	_ =	sdelay $0x1  }
0xc0: {  	[tilespmem:s13+$0x1030] =	vst v9  }
0xc1: {  	v9 =	vld.idx.msk [tilespmem:v6+s8+$0x0], $0xffff  }
0xc2: {  	v44 =	vld.idx.msk [tilespmem:v6+s9+$0x0], $0xffff;
	_ =	sdelay $0x3  }
0xc3: {  	v45 =	vshll.u32 v9, $0x10  }
0xc4: {  	v11 =	vmul.f32 v45, v44  }
0xc5: {  	v9 =	vand.u32 $0xFFFF0000, v9  }
0xc6: {  	v9 =	vsub.f32 v9, v11;
	_ =	sdelay $0x1  }
0xc7: {  	v9 =	vmul.f32 v9, v44;
	_ =	sdelay $0x1  }
0xc8: {  	[tilespmem:s13+$0x1040] =	vst v9  }
0xc9: {  	v9 =	vld.idx.msk [tilespmem:v7+s8+$0x0], $0xffff  }
0xca: {  	v46 =	vld.idx.msk [tilespmem:v7+s9+$0x0], $0xffff;
	_ =	sdelay $0x3  }
0xcb: {  	v47 =	vshll.u32 v9, $0x10  }
0xcc: {  	v11 =	vmul.f32 v47, v46  }
0xcd: {  	v9 =	vand.u32 $0xFFFF0000, v9  }
0xce: {  	v9 =	vsub.f32 v9, v11;
	_ =	sdelay $0x1  }
0xcf: {  	v9 =	vmul.f32 v9, v46;
	_ =	sdelay $0x1  }
0xd0: {  	[tilespmem:s13+$0x1050] =	vst v9  }
0xd1: {  	v9 =	vld.idx.msk [tilespmem:v8+s8+$0x0], $0xffff  }
0xd2: {  	v48 =	vld.idx.msk [tilespmem:v8+s9+$0x0], $0xffff;
	_ =	sdelay $0x3  }
0xd3: {  	v49 =	vshll.u32 v9, $0x10  }
0xd4: {  	v11 =	vmul.f32 v49, v48  }
0xd5: {  	v9 =	vand.u32 $0xFFFF0000, v9  }
0xd6: {  	v9 =	vsub.f32 v9, v11;
	_ =	sdelay $0x1  }
0xd7: {  	v9 =	vmul.f32 v9, v48;
	_ =	sdelay $0x1  }
0xd8: {  	[tilespmem:s13+$0x1054] =	vst v9  }
0xd9: {  	[tilespmem:v2+s9+$0x0] =	vst.idx.msk $0xffff, v0  }
0xda: {  	[tilespmem:v3+s9+$0x0] =	vst.idx.msk $0xffff, v0  }
0xdb: {  	[tilespmem:v4+s9+$0x0] =	vst.idx.msk $0xffff, v0  }
0xdc: {  	[tilespmem:v5+s9+$0x0] =	vst.idx.msk $0xffff, v0  }
0xdd: {  	[tilespmem:v6+s9+$0x0] =	vst.idx.msk $0xffff, v0  }
0xde: {  	[tilespmem:v7+s9+$0x0] =	vst.idx.msk $0xffff, v0  }
0xdf: {  	[tilespmem:v8+s9+$0x0] =	vst.idx.msk vm0, v0  }
0xe0: {  	v3 =	vld [tilespmem:s13+$0x80]  }
0xe1: {  	v4 =	vld [tilespmem:s13+$0x90]  }
0xe2: {  	v5 =	vld [tilespmem:s13+$0xA0]  }
0xe3: {  	v6 =	vld [tilespmem:s13+$0xB0]  }
0xe4: {  	v7 =	vld [tilespmem:s13+$0xC0]  }
0xe5: {  	v8 =	vld [tilespmem:s13+$0xD0]  }
0xe6: {  	v2 =	vld [tilespmem:s13+$0xD4];
	_ =	sdelay $0x1  }
0xe7: {  	[tilespmem:v3+s10+$0x0] =	vst.idx.add.f32.msk $0xffff, v1  }
0xe8: {  	[tilespmem:v4+s10+$0x0] =	vst.idx.add.f32.msk $0xffff, v1  }
0xe9: {  	[tilespmem:v5+s10+$0x0] =	vst.idx.add.f32.msk $0xffff, v1  }
0xea: {  	[tilespmem:v6+s10+$0x0] =	vst.idx.add.f32.msk $0xffff, v1  }
0xeb: {  	[tilespmem:v7+s10+$0x0] =	vst.idx.add.f32.msk $0xffff, v1  }
0xec: {  	[tilespmem:v8+s10+$0x0] =	vst.idx.add.f32.msk $0xffff, v1  }
0xed: {  	[tilespmem:v2+s10+$0x0] =	vst.idx.add.f32.msk vm0, v1  }
0xee: {  	v9 =	vld.idx.msk [tilespmem:v3+s8+$0x0], $0xffff  }
0xef: {  	v50 =	vld.idx.msk [tilespmem:v3+s10+$0x0], $0xffff;
	_ =	sdelay $0x3  }
0xf0: {  	v51 =	vshll.u32 v9, $0x10  }
0xf1: {  	v11 =	vmul.f32 v51, v50  }
0xf2: {  	v9 =	vand.u32 $0xFFFF0000, v9  }
0xf3: {  	v9 =	vsub.f32 v9, v11;
	_ =	sdelay $0x1  }
0xf4: {  	v9 =	vmul.f32 v9, v50;
	_ =	sdelay $0x1  }
0xf5: {  	[tilespmem:s13+$0x1080] =	vst v9  }
0xf6: {  	v9 =	vld.idx.msk [tilespmem:v4+s8+$0x0], $0xffff  }
0xf7: {  	v52 =	vld.idx.msk [tilespmem:v4+s10+$0x0], $0xffff;
	_ =	sdelay $0x3  }
0xf8: {  	v53 =	vshll.u32 v9, $0x10  }
0xf9: {  	v11 =	vmul.f32 v53, v52  }
0xfa: {  	v9 =	vand.u32 $0xFFFF0000, v9  }
0xfb: {  	v9 =	vsub.f32 v9, v11;
	_ =	sdelay $0x1  }
0xfc: {  	v9 =	vmul.f32 v9, v52;
	_ =	sdelay $0x1  }
0xfd: {  	[tilespmem:s13+$0x1090] =	vst v9  }
0xfe: {  	v9 =	vld.idx.msk [tilespmem:v5+s8+$0x0], $0xffff  }
0xff: {  	v54 =	vld.idx.msk [tilespmem:v5+s10+$0x0], $0xffff;
	_ =	sdelay $0x3  }
0x100: {  	v55 =	vshll.u32 v9, $0x10  }
0x101: {  	v11 =	vmul.f32 v55, v54  }
0x102: {  	v9 =	vand.u32 $0xFFFF0000, v9  }
0x103: {  	v9 =	vsub.f32 v9, v11;
	_ =	sdelay $0x1  }
0x104: {  	v9 =	vmul.f32 v9, v54;
	_ =	sdelay $0x1  }
0x105: {  	[tilespmem:s13+$0x10A0] =	vst v9  }
0x106: {  	v9 =	vld.idx.msk [tilespmem:v6+s8+$0x0], $0xffff  }
0x107: {  	v56 =	vld.idx.msk [tilespmem:v6+s10+$0x0], $0xffff;
	_ =	sdelay $0x3  }
0x108: {  	v57 =	vshll.u32 v9, $0x10  }
0x109: {  	v11 =	vmul.f32 v57, v56  }
0x10a: {  	v9 =	vand.u32 $0xFFFF0000, v9  }
0x10b: {  	v9 =	vsub.f32 v9, v11;
	_ =	sdelay $0x1  }
0x10c: {  	v9 =	vmul.f32 v9, v56;
	_ =	sdelay $0x1  }
0x10d: {  	[tilespmem:s13+$0x10B0] =	vst v9  }
0x10e: {  	v9 =	vld.idx.msk [tilespmem:v7+s8+$0x0], $0xffff  }
0x10f: {  	v58 =	vld.idx.msk [tilespmem:v7+s10+$0x0], $0xffff;
	_ =	sdelay $0x3  }
0x110: {  	v59 =	vshll.u32 v9, $0x10  }
0x111: {  	v11 =	vmul.f32 v59, v58  }
0x112: {  	v9 =	vand.u32 $0xFFFF0000, v9  }
0x113: {  	v9 =	vsub.f32 v9, v11;
	_ =	sdelay $0x1  }
0x114: {  	v9 =	vmul.f32 v9, v58;
	_ =	sdelay $0x1  }
0x115: {  	[tilespmem:s13+$0x10C0] =	vst v9  }
0x116: {  	v9 =	vld.idx.msk [tilespmem:v8+s8+$0x0], $0xffff  }
0x117: {  	v60 =	vld.idx.msk [tilespmem:v8+s10+$0x0], $0xffff;
	_ =	sdelay $0x3  }
0x118: {  	v61 =	vshll.u32 v9, $0x10  }
0x119: {  	v11 =	vmul.f32 v61, v60  }
0x11a: {  	v9 =	vand.u32 $0xFFFF0000, v9  }
0x11b: {  	v9 =	vsub.f32 v9, v11;
	_ =	sdelay $0x1  }
0x11c: {  	v9 =	vmul.f32 v9, v60;
	_ =	sdelay $0x1  }
0x11d: {  	[tilespmem:s13+$0x10D0] =	vst v9  }
0x11e: {  	v9 =	vld.idx.msk [tilespmem:v2+s8+$0x0], $0xffff  }
0x11f: {  	v62 =	vld.idx.msk [tilespmem:v2+s10+$0x0], $0xffff;
	_ =	sdelay $0x3  }
0x120: {  	v63 =	vshll.u32 v9, $0x10  }
0x121: {  	v11 =	vmul.f32 v63, v62  }
0x122: {  	v9 =	vand.u32 $0xFFFF0000, v9  }
0x123: {  	v9 =	vsub.f32 v9, v11;
	_ =	sdelay $0x1  }
0x124: {  	v9 =	vmul.f32 v9, v62;
	_ =	sdelay $0x1  }
0x125: {  	[tilespmem:s13+$0x10D4] =	vst v9  }
0x126: {  	[tilespmem:v3+s10+$0x0] =	vst.idx.msk $0xffff, v0  }
0x127: {  	[tilespmem:v4+s10+$0x0] =	vst.idx.msk $0xffff, v0  }
0x128: {  	[tilespmem:v5+s10+$0x0] =	vst.idx.msk $0xffff, v0  }
0x129: {  	[tilespmem:v6+s10+$0x0] =	vst.idx.msk $0xffff, v0  }
0x12a: {  	[tilespmem:v7+s10+$0x0] =	vst.idx.msk $0xffff, v0  }
0x12b: {  	s14 =	simm.s32 $0x800;
	s13 =	simm.s32 $0x400;
	[tilespmem:v8+s10+$0x0] =	vst.idx.msk $0xffff, v0  }
.LBB2_2:
0x12c: {  	p0 =	sne.s32 s14, $0x3C00  }
0x12d: {  	s15 =	sshra.s32 s13, $0x2;
	[tilespmem:v2+s10+$0x0] =	vst.idx.msk vm0, v0;
	s13 =	smov.u32 s14;
	s14 =	sadd.s32 $0x400, s14  }
0x12e: {  	v2 =	vld [tilespmem:s15+$0x0]  }
0x12f: {  	v3 =	vld [tilespmem:s15+$0x10]  }
0x130: {  	v4 =	vld [tilespmem:s15+$0x20]  }
0x131: {  	v5 =	vld [tilespmem:s15+$0x30]  }
0x132: {  	v6 =	vld [tilespmem:s15+$0x40]  }
0x133: {  	v7 =	vld [tilespmem:s15+$0x50]  }
0x134: {  	v8 =	vld [tilespmem:s15+$0x54];
	_ =	sdelay $0x1  }
0x135: {  	[tilespmem:v2+s9+$0x0] =	vst.idx.add.f32.msk $0xffff, v1  }
0x136: {  	[tilespmem:v3+s9+$0x0] =	vst.idx.add.f32.msk $0xffff, v1  }
0x137: {  	[tilespmem:v4+s9+$0x0] =	vst.idx.add.f32.msk $0xffff, v1  }
0x138: {  	[tilespmem:v5+s9+$0x0] =	vst.idx.add.f32.msk $0xffff, v1  }
0x139: {  	[tilespmem:v6+s9+$0x0] =	vst.idx.add.f32.msk $0xffff, v1  }
0x13a: {  	[tilespmem:v7+s9+$0x0] =	vst.idx.add.f32.msk $0xffff, v1  }
0x13b: {  	[tilespmem:v8+s9+$0x0] =	vst.idx.add.f32.msk vm0, v1  }
0x13c: {  	v9 =	vld.idx.msk [tilespmem:v2+s8+$0x0], $0xffff  }
0x13d: {  	v10 =	vld.idx.msk [tilespmem:v2+s9+$0x0], $0xffff;
	_ =	sdelay $0x4  }
0x13e: {  	v11 =	vshll.u32 v9, $0x10  }
0x13f: {  	v11 =	vmul.f32 v11, v10  }
0x140: {  	v9 =	vand.u32 $0xFFFF0000, v9  }
0x141: {  	v9 =	vsub.f32 v9, v11;
	_ =	sdelay $0x1  }
0x142: {  	v9 =	vmul.f32 v9, v10;
	_ =	sdelay $0x1  }
0x143: {  	[tilespmem:s15+$0x1000] =	vst v9  }
0x144: {  	v9 =	vld.idx.msk [tilespmem:v3+s8+$0x0], $0xffff  }
0x145: {  	v10 =	vld.idx.msk [tilespmem:v3+s9+$0x0], $0xffff;
	_ =	sdelay $0x4  }
0x146: {  	v11 =	vshll.u32 v9, $0x10  }
0x147: {  	v11 =	vmul.f32 v11, v10  }
0x148: {  	v9 =	vand.u32 $0xFFFF0000, v9  }
0x149: {  	v9 =	vsub.f32 v9, v11;
	_ =	sdelay $0x1  }
0x14a: {  	v9 =	vmul.f32 v9, v10;
	_ =	sdelay $0x1  }
0x14b: {  	[tilespmem:s15+$0x1010] =	vst v9  }
0x14c: {  	v9 =	vld.idx.msk [tilespmem:v4+s8+$0x0], $0xffff  }
0x14d: {  	v10 =	vld.idx.msk [tilespmem:v4+s9+$0x0], $0xffff;
	_ =	sdelay $0x4  }
0x14e: {  	v11 =	vshll.u32 v9, $0x10  }
0x14f: {  	v11 =	vmul.f32 v11, v10  }
0x150: {  	v9 =	vand.u32 $0xFFFF0000, v9  }
0x151: {  	v9 =	vsub.f32 v9, v11;
	_ =	sdelay $0x1  }
0x152: {  	v9 =	vmul.f32 v9, v10;
	_ =	sdelay $0x1  }
0x153: {  	[tilespmem:s15+$0x1020] =	vst v9  }
0x154: {  	v9 =	vld.idx.msk [tilespmem:v5+s8+$0x0], $0xffff  }
0x155: {  	v10 =	vld.idx.msk [tilespmem:v5+s9+$0x0], $0xffff;
	_ =	sdelay $0x4  }
0x156: {  	v11 =	vshll.u32 v9, $0x10  }
0x157: {  	v11 =	vmul.f32 v11, v10  }
0x158: {  	v9 =	vand.u32 $0xFFFF0000, v9  }
0x159: {  	v9 =	vsub.f32 v9, v11;
	_ =	sdelay $0x1  }
0x15a: {  	v9 =	vmul.f32 v9, v10;
	_ =	sdelay $0x1  }
0x15b: {  	[tilespmem:s15+$0x1030] =	vst v9  }
0x15c: {  	v9 =	vld.idx.msk [tilespmem:v6+s8+$0x0], $0xffff  }
0x15d: {  	v10 =	vld.idx.msk [tilespmem:v6+s9+$0x0], $0xffff;
	_ =	sdelay $0x4  }
0x15e: {  	v11 =	vshll.u32 v9, $0x10  }
0x15f: {  	v11 =	vmul.f32 v11, v10  }
0x160: {  	v9 =	vand.u32 $0xFFFF0000, v9  }
0x161: {  	v9 =	vsub.f32 v9, v11;
	_ =	sdelay $0x1  }
0x162: {  	v9 =	vmul.f32 v9, v10;
	_ =	sdelay $0x1  }
0x163: {  	[tilespmem:s15+$0x1040] =	vst v9  }
0x164: {  	v9 =	vld.idx.msk [tilespmem:v7+s8+$0x0], $0xffff  }
0x165: {  	v10 =	vld.idx.msk [tilespmem:v7+s9+$0x0], $0xffff;
	_ =	sdelay $0x4  }
0x166: {  	v11 =	vshll.u32 v9, $0x10  }
0x167: {  	v11 =	vmul.f32 v11, v10  }
0x168: {  	v9 =	vand.u32 $0xFFFF0000, v9  }
0x169: {  	v9 =	vsub.f32 v9, v11;
	_ =	sdelay $0x1  }
0x16a: {  	v9 =	vmul.f32 v9, v10;
	_ =	sdelay $0x1  }
0x16b: {  	[tilespmem:s15+$0x1050] =	vst v9  }
0x16c: {  	v9 =	vld.idx.msk [tilespmem:v8+s8+$0x0], $0xffff  }
0x16d: {  	v10 =	vld.idx.msk [tilespmem:v8+s9+$0x0], $0xffff;
	_ =	sdelay $0x4  }
0x16e: {  	v11 =	vshll.u32 v9, $0x10  }
0x16f: {  	v11 =	vmul.f32 v11, v10  }
0x170: {  	v9 =	vand.u32 $0xFFFF0000, v9  }
0x171: {  	v9 =	vsub.f32 v9, v11;
	_ =	sdelay $0x1  }
0x172: {  	v9 =	vmul.f32 v9, v10;
	_ =	sdelay $0x1  }
0x173: {  	[tilespmem:s15+$0x1054] =	vst v9  }
0x174: {  	[tilespmem:v2+s9+$0x0] =	vst.idx.msk $0xffff, v0  }
0x175: {  	[tilespmem:v3+s9+$0x0] =	vst.idx.msk $0xffff, v0  }
0x176: {  	[tilespmem:v4+s9+$0x0] =	vst.idx.msk $0xffff, v0  }
0x177: {  	[tilespmem:v5+s9+$0x0] =	vst.idx.msk $0xffff, v0  }
0x178: {  	[tilespmem:v6+s9+$0x0] =	vst.idx.msk $0xffff, v0  }
0x179: {  	[tilespmem:v7+s9+$0x0] =	vst.idx.msk $0xffff, v0  }
0x17a: {  	[tilespmem:v8+s9+$0x0] =	vst.idx.msk vm0, v0  }
0x17b: {  	v3 =	vld [tilespmem:s15+$0x80]  }
0x17c: {  	v4 =	vld [tilespmem:s15+$0x90]  }
0x17d: {  	v5 =	vld [tilespmem:s15+$0xA0]  }
0x17e: {  	v6 =	vld [tilespmem:s15+$0xB0]  }
0x17f: {  	v7 =	vld [tilespmem:s15+$0xC0]  }
0x180: {  	v8 =	vld [tilespmem:s15+$0xD0]  }
0x181: {  	v2 =	vld [tilespmem:s15+$0xD4];
	_ =	sdelay $0x1  }
0x182: {  	[tilespmem:v3+s10+$0x0] =	vst.idx.add.f32.msk $0xffff, v1  }
0x183: {  	[tilespmem:v4+s10+$0x0] =	vst.idx.add.f32.msk $0xffff, v1  }
0x184: {  	[tilespmem:v5+s10+$0x0] =	vst.idx.add.f32.msk $0xffff, v1  }
0x185: {  	[tilespmem:v6+s10+$0x0] =	vst.idx.add.f32.msk $0xffff, v1  }
0x186: {  	[tilespmem:v7+s10+$0x0] =	vst.idx.add.f32.msk $0xffff, v1  }
0x187: {  	[tilespmem:v8+s10+$0x0] =	vst.idx.add.f32.msk $0xffff, v1  }
0x188: {  	[tilespmem:v2+s10+$0x0] =	vst.idx.add.f32.msk vm0, v1  }
0x189: {  	v9 =	vld.idx.msk [tilespmem:v3+s8+$0x0], $0xffff  }
0x18a: {  	v10 =	vld.idx.msk [tilespmem:v3+s10+$0x0], $0xffff;
	_ =	sdelay $0x4  }
0x18b: {  	v11 =	vshll.u32 v9, $0x10  }
0x18c: {  	v11 =	vmul.f32 v11, v10  }
0x18d: {  	v9 =	vand.u32 $0xFFFF0000, v9  }
0x18e: {  	v9 =	vsub.f32 v9, v11;
	_ =	sdelay $0x1  }
0x18f: {  	v9 =	vmul.f32 v9, v10;
	_ =	sdelay $0x1  }
0x190: {  	[tilespmem:s15+$0x1080] =	vst v9  }
0x191: {  	v9 =	vld.idx.msk [tilespmem:v4+s8+$0x0], $0xffff  }
0x192: {  	v10 =	vld.idx.msk [tilespmem:v4+s10+$0x0], $0xffff;
	_ =	sdelay $0x4  }
0x193: {  	v11 =	vshll.u32 v9, $0x10  }
0x194: {  	v11 =	vmul.f32 v11, v10  }
0x195: {  	v9 =	vand.u32 $0xFFFF0000, v9  }
0x196: {  	v9 =	vsub.f32 v9, v11;
	_ =	sdelay $0x1  }
0x197: {  	v9 =	vmul.f32 v9, v10;
	_ =	sdelay $0x1  }
0x198: {  	[tilespmem:s15+$0x1090] =	vst v9  }
0x199: {  	v9 =	vld.idx.msk [tilespmem:v5+s8+$0x0], $0xffff  }
0x19a: {  	v10 =	vld.idx.msk [tilespmem:v5+s10+$0x0], $0xffff;
	_ =	sdelay $0x4  }
0x19b: {  	v11 =	vshll.u32 v9, $0x10  }
0x19c: {  	v11 =	vmul.f32 v11, v10  }
0x19d: {  	v9 =	vand.u32 $0xFFFF0000, v9  }
0x19e: {  	v9 =	vsub.f32 v9, v11;
	_ =	sdelay $0x1  }
0x19f: {  	v9 =	vmul.f32 v9, v10;
	_ =	sdelay $0x1  }
0x1a0: {  	[tilespmem:s15+$0x10A0] =	vst v9  }
0x1a1: {  	v9 =	vld.idx.msk [tilespmem:v6+s8+$0x0], $0xffff  }
0x1a2: {  	v10 =	vld.idx.msk [tilespmem:v6+s10+$0x0], $0xffff;
	_ =	sdelay $0x4  }
0x1a3: {  	v11 =	vshll.u32 v9, $0x10  }
0x1a4: {  	v11 =	vmul.f32 v11, v10  }
0x1a5: {  	v9 =	vand.u32 $0xFFFF0000, v9  }
0x1a6: {  	v9 =	vsub.f32 v9, v11;
	_ =	sdelay $0x1  }
0x1a7: {  	v9 =	vmul.f32 v9, v10;
	_ =	sdelay $0x1  }
0x1a8: {  	[tilespmem:s15+$0x10B0] =	vst v9  }
0x1a9: {  	v9 =	vld.idx.msk [tilespmem:v7+s8+$0x0], $0xffff  }
0x1aa: {  	v10 =	vld.idx.msk [tilespmem:v7+s10+$0x0], $0xffff;
	_ =	sdelay $0x4  }
0x1ab: {  	v11 =	vshll.u32 v9, $0x10  }
0x1ac: {  	v11 =	vmul.f32 v11, v10  }
0x1ad: {  	v9 =	vand.u32 $0xFFFF0000, v9  }
0x1ae: {  	v9 =	vsub.f32 v9, v11;
	_ =	sdelay $0x1  }
0x1af: {  	v9 =	vmul.f32 v9, v10;
	_ =	sdelay $0x1  }
0x1b0: {  	[tilespmem:s15+$0x10C0] =	vst v9  }
0x1b1: {  	v9 =	vld.idx.msk [tilespmem:v8+s8+$0x0], $0xffff  }
0x1b2: {  	v10 =	vld.idx.msk [tilespmem:v8+s10+$0x0], $0xffff;
	_ =	sdelay $0x4  }
0x1b3: {  	v11 =	vshll.u32 v9, $0x10  }
0x1b4: {  	v11 =	vmul.f32 v11, v10  }
0x1b5: {  	v9 =	vand.u32 $0xFFFF0000, v9  }
0x1b6: {  	v9 =	vsub.f32 v9, v11;
	_ =	sdelay $0x1  }
0x1b7: {  	v9 =	vmul.f32 v9, v10;
	_ =	sdelay $0x1  }
0x1b8: {  	[tilespmem:s15+$0x10D0] =	vst v9  }
0x1b9: {  	v9 =	vld.idx.msk [tilespmem:v2+s8+$0x0], $0xffff  }
0x1ba: {  	v10 =	vld.idx.msk [tilespmem:v2+s10+$0x0], $0xffff;
	_ =	sdelay $0x4  }
0x1bb: {  	v11 =	vshll.u32 v9, $0x10  }
0x1bc: {  	v11 =	vmul.f32 v11, v10  }
0x1bd: {  	v9 =	vand.u32 $0xFFFF0000, v9  }
0x1be: {  	v9 =	vsub.f32 v9, v11;
	_ =	sdelay $0x1  }
0x1bf: {  	v9 =	vmul.f32 v9, v10;
	_ =	sdelay $0x1  }
0x1c0: {  	[tilespmem:s15+$0x10D4] =	vst v9  }
0x1c1: {  	[tilespmem:v3+s10+$0x0] =	vst.idx.msk $0xffff, v0  }
.Ltmp0:
0x1c2: {  	[tilespmem:v4+s10+$0x0] =	vst.idx.msk $0xffff, v0;
	(pc) =	sbr.rel @p0 .LBB2_2-.Ltmp0, $4  }
0x1c3: {  	[tilespmem:v5+s10+$0x0] =	vst.idx.msk $0xffff, v0  }
0x1c4: {  	[tilespmem:v6+s10+$0x0] =	vst.idx.msk $0xffff, v0  }
0x1c5: {  	[tilespmem:v7+s10+$0x0] =	vst.idx.msk $0xffff, v0  }
0x1c6: {  	[tilespmem:v8+s10+$0x0] =	vst.idx.msk $0xffff, v0  }
0x1c7: {  	_ =	sdelay $0x4  }
0x1c8: {  	s13 =	sshra.s32 s13, $0x2;
	[tilespmem:v2+s10+$0x0] =	vst.idx.msk vm0, v0  }
0x1c9: {  	v2 =	vld [tilespmem:s13+$0x0]  }
0x1ca: {  	v3 =	vld [tilespmem:s13+$0x10]  }
0x1cb: {  	v4 =	vld [tilespmem:s13+$0x20]  }
0x1cc: {  	v5 =	vld [tilespmem:s13+$0x30]  }
0x1cd: {  	v6 =	vld [tilespmem:s13+$0x40]  }
0x1ce: {  	v7 =	vld [tilespmem:s13+$0x50]  }
0x1cf: {  	v8 =	vld [tilespmem:s13+$0x54];
	_ =	sdelay $0x1  }
0x1d0: {  	[tilespmem:v2+s9+$0x0] =	vst.idx.add.f32.msk $0xffff, v1  }
0x1d1: {  	[tilespmem:v3+s9+$0x0] =	vst.idx.add.f32.msk $0xffff, v1  }
0x1d2: {  	[tilespmem:v4+s9+$0x0] =	vst.idx.add.f32.msk $0xffff, v1  }
0x1d3: {  	[tilespmem:v5+s9+$0x0] =	vst.idx.add.f32.msk $0xffff, v1  }
0x1d4: {  	[tilespmem:v6+s9+$0x0] =	vst.idx.add.f32.msk $0xffff, v1  }
0x1d5: {  	[tilespmem:v7+s9+$0x0] =	vst.idx.add.f32.msk $0xffff, v1  }
0x1d6: {  	[tilespmem:v8+s9+$0x0] =	vst.idx.add.f32.msk vm0, v1  }
0x1d7: {  	v9 =	vld.idx.msk [tilespmem:v2+s8+$0x0], $0xffff  }
0x1d8: {  	v10 =	vld.idx.msk [tilespmem:v2+s9+$0x0], $0xffff;
	_ =	sdelay $0x3  }
0x1d9: {  	v11 =	vshll.u32 v9, $0x10  }
0x1da: {  	v11 =	vmul.f32 v11, v10  }
0x1db: {  	v9 =	vand.u32 $0xFFFF0000, v9  }
0x1dc: {  	v9 =	vsub.f32 v9, v11;
	_ =	sdelay $0x1  }
0x1dd: {  	v9 =	vmul.f32 v9, v10;
	_ =	sdelay $0x1  }
0x1de: {  	[tilespmem:s13+$0x1000] =	vst v9  }
0x1df: {  	v9 =	vld.idx.msk [tilespmem:v3+s8+$0x0], $0xffff  }
0x1e0: {  	v38 =	vld.idx.msk [tilespmem:v3+s9+$0x0], $0xffff;
	_ =	sdelay $0x3  }
0x1e1: {  	v39 =	vshll.u32 v9, $0x10  }
0x1e2: {  	v11 =	vmul.f32 v39, v38  }
0x1e3: {  	v9 =	vand.u32 $0xFFFF0000, v9  }
0x1e4: {  	v9 =	vsub.f32 v9, v11;
	_ =	sdelay $0x1  }
0x1e5: {  	v9 =	vmul.f32 v9, v38;
	_ =	sdelay $0x1  }
0x1e6: {  	[tilespmem:s13+$0x1010] =	vst v9  }
0x1e7: {  	v9 =	vld.idx.msk [tilespmem:v4+s8+$0x0], $0xffff  }
0x1e8: {  	v40 =	vld.idx.msk [tilespmem:v4+s9+$0x0], $0xffff;
	_ =	sdelay $0x3  }
0x1e9: {  	v41 =	vshll.u32 v9, $0x10  }
0x1ea: {  	v11 =	vmul.f32 v41, v40  }
0x1eb: {  	v9 =	vand.u32 $0xFFFF0000, v9  }
0x1ec: {  	v9 =	vsub.f32 v9, v11;
	_ =	sdelay $0x1  }
0x1ed: {  	v9 =	vmul.f32 v9, v40;
	_ =	sdelay $0x1  }
0x1ee: {  	[tilespmem:s13+$0x1020] =	vst v9  }
0x1ef: {  	v9 =	vld.idx.msk [tilespmem:v5+s8+$0x0], $0xffff  }
0x1f0: {  	v42 =	vld.idx.msk [tilespmem:v5+s9+$0x0], $0xffff;
	_ =	sdelay $0x3  }
0x1f1: {  	v43 =	vshll.u32 v9, $0x10  }
0x1f2: {  	v11 =	vmul.f32 v43, v42  }
0x1f3: {  	v9 =	vand.u32 $0xFFFF0000, v9  }
0x1f4: {  	v9 =	vsub.f32 v9, v11;
	_ =	sdelay $0x1  }
0x1f5: {  	v9 =	vmul.f32 v9, v42;
	_ =	sdelay $0x1  }
0x1f6: {  	[tilespmem:s13+$0x1030] =	vst v9  }
0x1f7: {  	v9 =	vld.idx.msk [tilespmem:v6+s8+$0x0], $0xffff  }
0x1f8: {  	v44 =	vld.idx.msk [tilespmem:v6+s9+$0x0], $0xffff;
	_ =	sdelay $0x3  }
0x1f9: {  	v45 =	vshll.u32 v9, $0x10  }
0x1fa: {  	v11 =	vmul.f32 v45, v44  }
0x1fb: {  	v9 =	vand.u32 $0xFFFF0000, v9  }
0x1fc: {  	v9 =	vsub.f32 v9, v11;
	_ =	sdelay $0x1  }
0x1fd: {  	v9 =	vmul.f32 v9, v44;
	_ =	sdelay $0x1  }
0x1fe: {  	[tilespmem:s13+$0x1040] =	vst v9  }
0x1ff: {  	v9 =	vld.idx.msk [tilespmem:v7+s8+$0x0], $0xffff  }
0x200: {  	v46 =	vld.idx.msk [tilespmem:v7+s9+$0x0], $0xffff;
	_ =	sdelay $0x3  }
0x201: {  	v47 =	vshll.u32 v9, $0x10  }
0x202: {  	v11 =	vmul.f32 v47, v46  }
0x203: {  	v9 =	vand.u32 $0xFFFF0000, v9  }
0x204: {  	v9 =	vsub.f32 v9, v11;
	_ =	sdelay $0x1  }
0x205: {  	v9 =	vmul.f32 v9, v46;
	_ =	sdelay $0x1  }
0x206: {  	[tilespmem:s13+$0x1050] =	vst v9  }
0x207: {  	v9 =	vld.idx.msk [tilespmem:v8+s8+$0x0], $0xffff  }
0x208: {  	v48 =	vld.idx.msk [tilespmem:v8+s9+$0x0], $0xffff;
	_ =	sdelay $0x3  }
0x209: {  	v49 =	vshll.u32 v9, $0x10  }
0x20a: {  	v11 =	vmul.f32 v49, v48  }
0x20b: {  	v9 =	vand.u32 $0xFFFF0000, v9  }
0x20c: {  	v9 =	vsub.f32 v9, v11;
	_ =	sdelay $0x1  }
0x20d: {  	v9 =	vmul.f32 v9, v48;
	_ =	sdelay $0x1  }
0x20e: {  	[tilespmem:s13+$0x1054] =	vst v9  }
0x20f: {  	[tilespmem:v2+s9+$0x0] =	vst.idx.msk $0xffff, v0  }
0x210: {  	[tilespmem:v3+s9+$0x0] =	vst.idx.msk $0xffff, v0  }
0x211: {  	[tilespmem:v4+s9+$0x0] =	vst.idx.msk $0xffff, v0  }
0x212: {  	[tilespmem:v5+s9+$0x0] =	vst.idx.msk $0xffff, v0  }
0x213: {  	[tilespmem:v6+s9+$0x0] =	vst.idx.msk $0xffff, v0  }
0x214: {  	[tilespmem:v7+s9+$0x0] =	vst.idx.msk $0xffff, v0  }
0x215: {  	[tilespmem:v8+s9+$0x0] =	vst.idx.msk vm0, v0  }
0x216: {  	v2 =	vld [tilespmem:s13+$0x80]  }
0x217: {  	v3 =	vld [tilespmem:s13+$0x90]  }
0x218: {  	v4 =	vld [tilespmem:s13+$0xA0]  }
0x219: {  	v5 =	vld [tilespmem:s13+$0xB0]  }
0x21a: {  	v6 =	vld [tilespmem:s13+$0xC0]  }
0x21b: {  	v7 =	vld [tilespmem:s13+$0xD0]  }
0x21c: {  	v8 =	vld [tilespmem:s13+$0xD4];
	_ =	sdelay $0x1  }
0x21d: {  	[tilespmem:v2+s10+$0x0] =	vst.idx.add.f32.msk $0xffff, v1  }
0x21e: {  	[tilespmem:v3+s10+$0x0] =	vst.idx.add.f32.msk $0xffff, v1  }
0x21f: {  	[tilespmem:v4+s10+$0x0] =	vst.idx.add.f32.msk $0xffff, v1  }
0x220: {  	[tilespmem:v5+s10+$0x0] =	vst.idx.add.f32.msk $0xffff, v1  }
0x221: {  	[tilespmem:v6+s10+$0x0] =	vst.idx.add.f32.msk $0xffff, v1  }
0x222: {  	[tilespmem:v7+s10+$0x0] =	vst.idx.add.f32.msk $0xffff, v1  }
0x223: {  	[tilespmem:v8+s10+$0x0] =	vst.idx.add.f32.msk vm0, v1  }
0x224: {  	v9 =	vld.idx.msk [tilespmem:v2+s8+$0x0], $0xffff  }
0x225: {  	v50 =	vld.idx.msk [tilespmem:v2+s10+$0x0], $0xffff;
	_ =	sdelay $0x3  }
0x226: {  	v51 =	vshll.u32 v9, $0x10  }
0x227: {  	v11 =	vmul.f32 v51, v50  }
0x228: {  	v9 =	vand.u32 $0xFFFF0000, v9  }
0x229: {  	v9 =	vsub.f32 v9, v11;
	_ =	sdelay $0x1  }
0x22a: {  	v9 =	vmul.f32 v9, v50;
	_ =	sdelay $0x1  }
0x22b: {  	[tilespmem:s13+$0x1080] =	vst v9  }
0x22c: {  	v9 =	vld.idx.msk [tilespmem:v3+s8+$0x0], $0xffff  }
0x22d: {  	v52 =	vld.idx.msk [tilespmem:v3+s10+$0x0], $0xffff;
	_ =	sdelay $0x3  }
0x22e: {  	v53 =	vshll.u32 v9, $0x10  }
0x22f: {  	v11 =	vmul.f32 v53, v52  }
0x230: {  	v9 =	vand.u32 $0xFFFF0000, v9  }
0x231: {  	v9 =	vsub.f32 v9, v11;
	_ =	sdelay $0x1  }
0x232: {  	v9 =	vmul.f32 v9, v52;
	_ =	sdelay $0x1  }
0x233: {  	[tilespmem:s13+$0x1090] =	vst v9  }
0x234: {  	v9 =	vld.idx.msk [tilespmem:v4+s8+$0x0], $0xffff  }
0x235: {  	v54 =	vld.idx.msk [tilespmem:v4+s10+$0x0], $0xffff;
	_ =	sdelay $0x3  }
0x236: {  	v55 =	vshll.u32 v9, $0x10  }
0x237: {  	v11 =	vmul.f32 v55, v54  }
0x238: {  	v9 =	vand.u32 $0xFFFF0000, v9  }
0x239: {  	v9 =	vsub.f32 v9, v11;
	_ =	sdelay $0x1  }
0x23a: {  	v9 =	vmul.f32 v9, v54;
	_ =	sdelay $0x1  }
0x23b: {  	[tilespmem:s13+$0x10A0] =	vst v9  }
0x23c: {  	v9 =	vld.idx.msk [tilespmem:v5+s8+$0x0], $0xffff  }
0x23d: {  	v56 =	vld.idx.msk [tilespmem:v5+s10+$0x0], $0xffff;
	_ =	sdelay $0x3  }
0x23e: {  	v57 =	vshll.u32 v9, $0x10  }
0x23f: {  	v11 =	vmul.f32 v57, v56  }
0x240: {  	v9 =	vand.u32 $0xFFFF0000, v9  }
0x241: {  	v9 =	vsub.f32 v9, v11;
	_ =	sdelay $0x1  }
0x242: {  	v9 =	vmul.f32 v9, v56;
	_ =	sdelay $0x1  }
0x243: {  	[tilespmem:s13+$0x10B0] =	vst v9  }
0x244: {  	v9 =	vld.idx.msk [tilespmem:v6+s8+$0x0], $0xffff  }
0x245: {  	v58 =	vld.idx.msk [tilespmem:v6+s10+$0x0], $0xffff;
	_ =	sdelay $0x3  }
0x246: {  	v59 =	vshll.u32 v9, $0x10  }
0x247: {  	v11 =	vmul.f32 v59, v58  }
0x248: {  	v9 =	vand.u32 $0xFFFF0000, v9  }
0x249: {  	v9 =	vsub.f32 v9, v11;
	_ =	sdelay $0x1  }
0x24a: {  	v9 =	vmul.f32 v9, v58;
	_ =	sdelay $0x1  }
0x24b: {  	[tilespmem:s13+$0x10C0] =	vst v9  }
0x24c: {  	v9 =	vld.idx.msk [tilespmem:v7+s8+$0x0], $0xffff  }
0x24d: {  	v60 =	vld.idx.msk [tilespmem:v7+s10+$0x0], $0xffff;
	_ =	sdelay $0x3  }
0x24e: {  	v61 =	vshll.u32 v9, $0x10  }
0x24f: {  	v11 =	vmul.f32 v61, v60  }
0x250: {  	v9 =	vand.u32 $0xFFFF0000, v9  }
0x251: {  	v9 =	vsub.f32 v9, v11;
	_ =	sdelay $0x1  }
0x252: {  	v9 =	vmul.f32 v9, v60;
	_ =	sdelay $0x1  }
0x253: {  	[tilespmem:s13+$0x10D0] =	vst v9  }
0x254: {  	v9 =	vld.idx.msk [tilespmem:v8+s8+$0x0], $0xffff  }
0x255: {  	v62 =	vld.idx.msk [tilespmem:v8+s10+$0x0], $0xffff;
	_ =	sdelay $0x3  }
0x256: {  	v63 =	vshll.u32 v9, $0x10  }
0x257: {  	v11 =	vmul.f32 v63, v62  }
0x258: {  	v9 =	vand.u32 $0xFFFF0000, v9  }
0x259: {  	v9 =	vsub.f32 v9, v11;
	_ =	sdelay $0x1  }
0x25a: {  	v9 =	vmul.f32 v9, v62;
	_ =	sdelay $0x1  }
0x25b: {  	[tilespmem:s13+$0x10D4] =	vst v9  }
0x25c: {  	[tilespmem:v2+s10+$0x0] =	vst.idx.msk $0xffff, v0  }
0x25d: {  	[tilespmem:v3+s10+$0x0] =	vst.idx.msk $0xffff, v0  }
0x25e: {  	[tilespmem:v4+s10+$0x0] =	vst.idx.msk $0xffff, v0  }
0x25f: {  	[tilespmem:v5+s10+$0x0] =	vst.idx.msk $0xffff, v0  }
0x260: {  	s12 =	sadd.s32 $0x1, s12;
	[tilespmem:v6+s10+$0x0] =	vst.idx.msk $0xffff, v0  }
0x261: {  	p0 =	sne.s32 s12, s6;
	[tilespmem:v7+s10+$0x0] =	vst.idx.msk $0xffff, v0  }
.Ltmp1:
0x262: {  	[tilespmem:v8+s10+$0x0] =	vst.idx.msk vm0, v0;
	(pc) =	sbr.rel @p0 .LBB2_1-.Ltmp1, $4  }
0x263: {  	[hbm4b:s5+s3] =	stream.linear.scatter [tilespmem:s11], [sflag:$0x1], $0x1000, $0x38;
	[tilespmem:$0x2C00] =	vst v63  }
0x264: {  	_ =	swait.ge [sflag:s7], $0x1000  }
0x265: {  	[sflag:s7] =	ssyncset.done $0x0  }
0x266: {  	[sflag:s7] =	ssyncadd.s32 $0xFFFFF000  }
0x267: {  	_ =	sfence.sel $0x180000  }
0x268: {  	[bflag:$0x0] =	sbarrier.arrive $0xFFFF  }
0x269: {  	p0 =	sne.s32 s1, $0x0;
	_ =	strace $0x90000047  }
0x26a: {  	s0 =	sadd.s32 @!p0 $0x100000, s0;
	[bflag:$0x2] =	sbarrier.arrive $0xFFFF  }
0x26b: {  	[sflag:s0] =	ssyncadd.tile.s32 @!p0 $0x1;
	_ =	shalt  }
.Lfunc_end2:
_tile_overlayer_lowered:
.L_overlay_start_2:
0x26c: {  	(tag) =	ssettag $0x2  }
0x26d: {  	s0 =	rddreg [dreg:$0x0];
	s2 =	stileid.u32  }
0x26e: {  	s1 =	rddreg [dreg:$0x1];
	p0 =	sne.s32 s2, $0x0  }
0x26f: {  	s3 =	rddreg [dreg:$0x2];
	[bflag:$0x3] =	sbarrier.arrive $0xFFFF;
	s2 =	simm.s32 @!p0 $0x1C01  }
0x270: {  	[timem:s3], [sflag:s2] =	dma.local @!p0 [hbm:s0], s1  }
0x271: {  	s0 =	simm.s32 @!p0 $0x1  }
0x272: {  	_ =	swait.ge @!p0 [sflag:s0], s1  }
0x273: {  	s1 =	ssub.s32 @!p0 $0x0, s1;
	[sflag:s0] =	ssyncset.done @!p0 $0x0  }
0x274: {  	[sflag:s0] =	ssyncadd.s32 @!p0 s1  }
0x275: {  	[bflag:$0x3] =	sbarrier.arrive $0xFFFF  }
0x276: {  	_ =	shalt  }

</sc_bundles>
